<compile_context>
chip_gen: v7x
topology: tpu7x:2x2x1
jax: 0.10.2.dev20260603
libtpu: 0.0.44.dev20260713+nightly
codegen_flags: <defaults>
</compile_context>

<pallas_src>
import functools

import jax
import jax.numpy as jnp
from jax import lax
from jax.experimental import pallas as pl
from jax.experimental.pallas import tpu as pltpu
from jax.experimental.pallas import tpu_sc as plsc

B, P, G, H, W = 4, 20000, 200, 512, 512
PPAD = 20480
BLK = 10240
NP = PPAD // BLK
NWORK = 32
CHUNK = (B * PPAD) // NWORK
NGATH = CHUNK // 128
VPB = CHUNK // 16
NPADTAIL = PPAD - P
MAGIC = 2.0 ** 23


def _sc_gather(xs, ys, masks_flat, tvx, tvy):
    mesh = plsc.VectorSubcoreMesh(core_axis_name="c", subcore_axis_name="s")
    n = B * PPAD

    @functools.partial(
        pl.kernel,
        mesh=mesh,
        compiler_params=pltpu.CompilerParams(needs_layout_passes=False),
        out_type=[
            jax.ShapeDtypeStruct((n,), jnp.int32),
            jax.ShapeDtypeStruct((n,), jnp.float32),
            jax.ShapeDtypeStruct((n,), jnp.float32),
        ],
        scratch_types=[
            pltpu.VMEM((CHUNK,), jnp.float32),
            pltpu.VMEM((CHUNK,), jnp.float32),
            pltpu.VMEM((CHUNK,), jnp.int32),
            pltpu.VMEM((CHUNK,), jnp.int32),
            pltpu.VMEM((G,), jnp.float32),
            pltpu.VMEM((G,), jnp.float32),
            pltpu.VMEM((CHUNK,), jnp.float32),
            pltpu.VMEM((CHUNK,), jnp.float32),
            pltpu.SemaphoreType.DMA,
        ],
    )
    def sc_kernel(xs_hbm, ys_hbm, masks_hbm, tvx_hbm, tvy_hbm,
                  lab_hbm, vxg_hbm, vyg_hbm,
                  xv, yv, idxv, labv, tvx_v, tvy_v, vxv, vyv, sem):
        nc = 2
        wid = lax.axis_index("s") * nc + lax.axis_index("c")
        base = wid * CHUNK
        batch = base // PPAD
        hoff = batch * (H * W)
        pltpu.sync_copy(xs_hbm.at[pl.ds(base, CHUNK)], xv)
        pltpu.sync_copy(ys_hbm.at[pl.ds(base, CHUNK)], yv)
        pltpu.sync_copy(tvx_hbm.at[pl.ds(batch * G, G)], tvx_v)
        pltpu.sync_copy(tvy_hbm.at[pl.ds(batch * G, G)], tvy_v)

        def body(i, carry):
            x16 = xv[pl.ds(i * 16, 16)]
            y16 = yv[pl.ds(i * 16, 16)]
            rx = (x16 + MAGIC) - MAGIC
            ry = (y16 + MAGIC) - MAGIC
            rx = jnp.minimum(jnp.maximum(rx, 0.0), float(W - 1))
            ry = jnp.minimum(jnp.maximum(ry, 0.0), float(H - 1))
            xi = rx.astype(jnp.int32)
            yi = ry.astype(jnp.int32)
            idxv[pl.ds(i * 16, 16)] = yi * W + xi + hoff
            return carry

        lax.fori_loop(0, VPB, body, 0)

        copies = []
        for c in range(NGATH):
            copies.append(
                pltpu.async_copy(
                    masks_hbm.at[idxv.at[pl.ds(c * 128, 128)]],
                    labv.at[pl.ds(c * 128, 128)],
                    sem,
                )
            )
        for cp in copies:
            cp.wait()

        @pl.when(wid % (PPAD // CHUNK) == (PPAD // CHUNK) - 1)
        def _zero_pad():
            def zbody(i, carry):
                labv[pl.ds((CHUNK - NPADTAIL) + i * 16, 16)] = jnp.zeros(
                    (16,), jnp.int32
                )
                return carry

            lax.fori_loop(0, NPADTAIL // 16, zbody, 0)

        def tbody(i, carry):
            lab16 = labv[pl.ds(i * 16, 16)]
            t16 = jnp.maximum(lab16 - 1, 0)
            vxv[pl.ds(i * 16, 16)] = plsc.load_gather(tvx_v, [t16])
            vyv[pl.ds(i * 16, 16)] = plsc.load_gather(tvy_v, [t16])
            return carry

        lax.fori_loop(0, VPB, tbody, 0)

        pltpu.sync_copy(labv, lab_hbm.at[pl.ds(base, CHUNK)])
        pltpu.sync_copy(vxv, vxg_hbm.at[pl.ds(base, CHUNK)])
        pltpu.sync_copy(vyv, vyg_hbm.at[pl.ds(base, CHUNK)])

    return sc_kernel(xs, ys, masks_flat, tvx, tvy)


def _ieq(a, b):
    return lax.bitcast_convert_type(a, jnp.int32) == lax.bitcast_convert_type(
        b, jnp.int32
    )


def _tc_global_kernel(pts_ref, tgt_ref, gmin_ref, gidx_ref):
    ip = pl.program_id(1)
    inf = jnp.float32(jnp.inf)
    bigf = jnp.float32(1e9)

    @pl.when(ip == 0)
    def _init():
        gmin_ref[0, :, :] = jnp.full((G, 1), inf, jnp.float32)
        gidx_ref[0, :, :] = jnp.zeros((G, 1), jnp.float32)

    ux = pts_ref[0, 0:1, :]
    uy = pts_ref[0, 1:2, :]
    vx = tgt_ref[0, :, 0:1]
    vy = tgt_ref[0, :, 1:2]
    dx = ux - vx
    dy = uy - vy
    s = jnp.sqrt(dx * dx + dy * dy + jnp.float32(1e-12))

    pidf = jnp.float32(ip * BLK) + lax.broadcasted_iota(
        jnp.int32, (1, BLK), 1).astype(jnp.float32)
    pidb = jnp.broadcast_to(pidf, (G, BLK))

    bgmin = jnp.min(s, axis=1, keepdims=True)
    bgidx = jnp.min(jnp.where(_ieq(s, bgmin), pidb, bigf), axis=1,
                    keepdims=True)

    gm = gmin_ref[0, :, :]
    gidx_ref[0, :, :] = jnp.where(bgmin < gm, bgidx, gidx_ref[0, :, :])
    gmin_ref[0, :, :] = jnp.minimum(bgmin, gm)


def _tc_inside_kernel(pts_ref, lab_ref, vxg_ref, vyg_ref,
                      imin_ref, iidx_ref, src_ref, cost_ref):
    ip = pl.program_id(1)
    inf = jnp.float32(jnp.inf)
    bigf = jnp.float32(1e9)

    @pl.when(ip == 0)
    def _init():
        imin_ref[0, :, :] = jnp.full((G, 1), inf, jnp.float32)
        iidx_ref[0, :, :] = jnp.zeros((G, 1), jnp.float32)

    ux = pts_ref[0, 0:1, :]
    uy = pts_ref[0, 1:2, :]
    vx = vxg_ref[0, :, :]
    vy = vyg_ref[0, :, :]
    dx = ux - vx
    dy = uy - vy
    s_own = jnp.sqrt(dx * dx + dy * dy + jnp.float32(1e-12))

    lab = lab_ref[0, :, :]
    ids = lax.broadcasted_iota(jnp.int32, (G, 1), 0) + 1
    inside = lab == ids
    s_i = jnp.where(inside, jnp.broadcast_to(s_own, (G, BLK)), inf)

    pidf = jnp.float32(ip * BLK) + lax.broadcasted_iota(
        jnp.int32, (1, BLK), 1).astype(jnp.float32)
    pidb = jnp.broadcast_to(pidf, (G, BLK))

    bimin = jnp.min(s_i, axis=1, keepdims=True)
    biidx = jnp.min(jnp.where(_ieq(s_i, bimin), pidb, bigf), axis=1,
                    keepdims=True)

    im = imin_ref[0, :, :]
    iidx_ref[0, :, :] = jnp.where(bimin < im, biidx, iidx_ref[0, :, :])
    imin_ref[0, :, :] = jnp.minimum(bimin, im)

    @pl.when(ip == NP - 1)
    def _fin():
        src_ref[0, :, :] = iidx_ref[0, :, :].astype(jnp.int32)
        cost_ref[0, :, :] = jnp.sum(imin_ref[0, :, :], axis=0, keepdims=True)


def _tc_global(pts_t, tgt, interpret=False):
    return pl.pallas_call(
        _tc_global_kernel,
        grid=(B, NP),
        in_specs=[
            pl.BlockSpec((1, 2, BLK), lambda b, i: (b, 0, i)),
            pl.BlockSpec((1, G, 2), lambda b, i: (b, 0, 0)),
        ],
        out_specs=[
            pl.BlockSpec((1, G, 1), lambda b, i: (b, 0, 0)),
            pl.BlockSpec((1, G, 1), lambda b, i: (b, 0, 0)),
        ],
        out_shape=[
            jax.ShapeDtypeStruct((B, G, 1), jnp.float32),
            jax.ShapeDtypeStruct((B, G, 1), jnp.float32),
        ],
        interpret=interpret,
    )(pts_t, tgt)


def _tc_inside(pts_t, labels3, vxg3, vyg3, interpret=False):
    return pl.pallas_call(
        _tc_inside_kernel,
        grid=(B, NP),
        in_specs=[
            pl.BlockSpec((1, 2, BLK), lambda b, i: (b, 0, i)),
            pl.BlockSpec((1, 1, BLK), lambda b, i: (b, 0, i)),
            pl.BlockSpec((1, 1, BLK), lambda b, i: (b, 0, i)),
            pl.BlockSpec((1, 1, BLK), lambda b, i: (b, 0, i)),
        ],
        out_specs=[
            pl.BlockSpec((1, G, 1), lambda b, i: (b, 0, 0)),
            pl.BlockSpec((1, G, 1), lambda b, i: (b, 0, 0)),
            pl.BlockSpec((1, G, 1), lambda b, i: (b, 0, 0)),
            pl.BlockSpec((1, 1, 1), lambda b, i: (b, 0, 0)),
        ],
        out_shape=[
            jax.ShapeDtypeStruct((B, G, 1), jnp.float32),
            jax.ShapeDtypeStruct((B, G, 1), jnp.float32),
            jax.ShapeDtypeStruct((B, G, 1), jnp.int32),
            jax.ShapeDtypeStruct((B, 1, 1), jnp.float32),
        ],
        interpret=interpret,
    )(pts_t, labels3, vxg3, vyg3)


def kernel(pred_points, target_points, target_masks):
    pad = PPAD - P
    xs = jnp.pad(pred_points[:, :, 0], ((0, 0), (0, pad))).reshape(-1)
    ys = jnp.pad(pred_points[:, :, 1], ((0, 0), (0, pad))).reshape(-1)
    masks_flat = target_masks.reshape(-1)
    tvx = target_points[:, :, 0].reshape(-1)
    tvy = target_points[:, :, 1].reshape(-1)

    labels, vxg, vyg = _sc_gather(xs, ys, masks_flat, tvx, tvy)
    labels3 = labels.reshape(B, 1, PPAD)
    vxg3 = vxg.reshape(B, 1, PPAD)
    vyg3 = vyg.reshape(B, 1, PPAD)

    pts_t = jnp.pad(
        jnp.swapaxes(pred_points, 1, 2),
        ((0, 0), (0, 0), (0, pad)),
        constant_values=1e6,
    )
    imin3, iidx3, src3, cost3 = _tc_inside(pts_t, labels3, vxg3, vyg3)
    costs_i = cost3[:, 0, 0]

    def _with_global(_):
        gmin3, gidx3 = _tc_global(pts_t, target_points)
        imin = imin3[:, :, 0]
        iidx = iidx3[:, :, 0]
        has = ~jnp.isinf(imin)
        sel_min = jnp.where(has, imin, gmin3[:, :, 0])
        sel_idx = jnp.where(has, iidx, gidx3[:, :, 0])
        return sel_idx.astype(jnp.int32), jnp.sum(sel_min, axis=1)

    def _inside_only(_):
        return src3[:, :, 0], costs_i

    src, costs = lax.cond(
        jnp.all(jnp.isfinite(costs_i)), _inside_only, _with_global, None
    )
    tgt = jnp.broadcast_to(jnp.arange(G, dtype=jnp.int32), (B, G))
    return src, tgt, costs

# --- scband reference (transcript-rebuilt; emitter-appended) ---
"""Pipeline reference for scband-points-masks-matcher-18305150615903 (READ-ONLY COPY).

The authoritative reference and input builder live on the scoring server;
editing this copy changes nothing except your own understanding.
"""

import jax, jax.numpy as jnp
import numpy as np

B, P, G, H, W = 4, 20000, 200, 512, 512


def setup_inputs(seed: int = 0) -> dict:
    key = jax.random.key(seed)
    k1, k2, k3 = jax.random.split(key, 3)
    pred_points = jax.random.uniform(k1, (B, P, 2), minval=0.0, maxval=512.0, dtype=jnp.float32)
    target_points = jax.random.uniform(k2, (B, G, 2), minval=0.0, maxval=512.0, dtype=jnp.float32)
    masks = jax.random.randint(k3, (B, H, W), 0, G + 1, dtype=jnp.int32)
    # guarantee every label 0..G appears so label_map.max() == G (num_masks == num_gt)
    masks = masks.at[:, 0, : G + 1].set(jnp.arange(G + 1, dtype=jnp.int32)[None, :])
    return {"pred_points": pred_points, "target_points": target_points, "target_masks": masks}


def _match_single(U, V, label_map):
    # U: [P,2] (x,y) predicted points; V: [g,2] gt points; label_map: [H,W] int
    Hh, Ww = label_map.shape
    num_classes = V.shape[0]
    # _find_points_in_masks: one-hot mask membership == label at rounded point location
    coords = jnp.round(U).astype(jnp.int32)
    x = jnp.clip(coords[:, 0], 0, Ww - 1)
    y = jnp.clip(coords[:, 1], 0, Hh - 1)
    labels_at = label_map[y, x]  # [P] gather
    mask_ids = jnp.arange(1, num_classes + 1, dtype=label_map.dtype)
    inside = labels_at[None, :] == mask_ids[:, None]  # [N, P] bool, == masks[:, y, x] > 0
    # all pairwise distances (cdist)
    d2 = jnp.sum((U[:, None, :] - V[None, :, :]) ** 2, axis=-1)
    dists = jnp.sqrt(d2 + 1e-12)  # [P, g]
    g = V.shape[0]
    inside_g = inside[:g].T  # [P, g]
    has_inside = inside[:g].any(axis=1)  # [g]
    # if a gt has inside points: restrict argmin to inside points (covers single & multiple cases);
    # else: global nearest point -- exactly the original _match_single branching
    eff = jnp.where(has_inside[None, :], jnp.where(inside_g, dists, jnp.inf), dists)
    src = jnp.argmin(eff, axis=0)  # [g]
    tgt = jnp.arange(g)
    total_cost = jnp.min(eff, axis=0).sum()
    return src, tgt, total_cost


def reference(pred_points, target_points, target_masks):
    srcs, tgts, costs = [], [], []
    for b in range(pred_points.shape[0]):
        s, t, c = _match_single(pred_points[b], target_points[b], target_masks[b])
        srcs.append(s)
        tgts.append(t)
        costs.append(c)
    return jnp.stack(srcs), jnp.stack(tgts), jnp.stack(costs)

if __name__ == "__main__":
    import jax
    _d = setup_inputs()
    print(jax.jit(kernel)(*tuple(_d.values())))

</pallas_src>

<mosaic_0001>
#map = affine_map<(d0, d1) -> (0)>
module attributes {stable_mosaic.version = 14 : i64} {
  func.func @sc_kernel(%arg0: i32, %arg1: i32, %arg2: memref<81920xf32, #tpu.memory_space<hbm>>, %arg3: memref<81920xf32, #tpu.memory_space<hbm>>, %arg4: memref<1048576xi32, #tpu.memory_space<hbm>>, %arg5: memref<800xf32, #tpu.memory_space<hbm>>, %arg6: memref<800xf32, #tpu.memory_space<hbm>>, %arg7: memref<81920xi32, #tpu.memory_space<hbm>>, %arg8: memref<81920xf32, #tpu.memory_space<hbm>>, %arg9: memref<81920xf32, #tpu.memory_space<hbm>>, %arg10: memref<2560xf32, #tpu.memory_space<vmem>>, %arg11: memref<2560xf32, #tpu.memory_space<vmem>>, %arg12: memref<2560xi32, #tpu.memory_space<vmem>>, %arg13: memref<2560xi32, #tpu.memory_space<vmem>>, %arg14: memref<200xf32, #tpu.memory_space<vmem>>, %arg15: memref<200xf32, #tpu.memory_space<vmem>>, %arg16: memref<2560xf32, #tpu.memory_space<vmem>>, %arg17: memref<2560xf32, #tpu.memory_space<vmem>>, %arg18: memref<!tpu.dma_semaphore, #tpu.memory_space<semaphore_mem>>) attributes {dimension_semantics = [#tpu.dimension_semantics<core_parallel>, #tpu.dimension_semantics<subcore_parallel>], iteration_bounds = array<i64: 2, 16>, scalar_prefetch = 0 : i64, scratch_operands = 9 : i64, tpu.core_type = #tpu.core_type<sc_vector_subcore>, window_params = [{transform_indices = #map}, {transform_indices = #map}, {transform_indices = #map}, {transform_indices = #map}, {transform_indices = #map}, {transform_indices = #map}, {transform_indices = #map}, {transform_indices = #map}]} {
    %mul3A = arith.constant 2 : i32
    %mul3A_0 = arith.muli %arg1, %mul3A : i32
    %add3A = arith.addi %mul3A_0, %arg0 : i32
    %mul3A_1 = arith.constant 2560 : i32
    %mul3A_2 = arith.muli %add3A, %mul3A_1 : i32
    %jit3A = arith.constant 20480 : i32
    %div3A = arith.divsi %mul3A_2, %jit3A : i32
    %sign3A = arith.constant 0 : i32
    %sign3A_3 = arith.cmpi sgt, %mul3A_2, %sign3A : i32
    %sign3A_4 = arith.extui %sign3A_3 : i1 to i32
    %sign3A_5 = arith.constant 0 : i32
    %sign3A_6 = arith.cmpi slt, %mul3A_2, %sign3A_5 : i32
    %sign3A_7 = arith.extui %sign3A_6 : i1 to i32
    %sign3A_8 = arith.subi %sign3A_4, %sign3A_7 : i32
    %sign3A_9 = arith.constant 0 : i32
    %sign3A_10 = arith.cmpi sgt, %jit3A, %sign3A_9 : i32
    %sign3A_11 = arith.extui %sign3A_10 : i1 to i32
    %sign3A_12 = arith.constant 0 : i32
    %sign3A_13 = arith.cmpi slt, %jit3A, %sign3A_12 : i32
    %sign3A_14 = arith.extui %sign3A_13 : i1 to i32
    %sign3A_15 = arith.subi %sign3A_11, %sign3A_14 : i32
    %ne3A = arith.cmpi ne, %sign3A_8, %sign3A_15 : i32
    %rem3A = arith.remsi %mul3A_2, %jit3A : i32
    %ne3A_16 = arith.constant 0 : i32
    %ne3A_17 = arith.cmpi ne, %rem3A, %ne3A_16 : i32
    %and3A = arith.andi %ne3A, %ne3A_17 : i1
    %sub3A = arith.constant 1 : i32
    %sub3A_18 = arith.subi %div3A, %sub3A : i32
    %select_n3A = arith.select %and3A, %sub3A_18, %div3A : i32
    %mul3A_19 = arith.constant 262144 : i32
    %mul3A_20 = arith.muli %select_n3A, %mul3A_19 : i32
    "tpu.region"() ({
      %run_scoped3A = tpu.sem_alloc : memref<!tpu.dma_semaphore, #tpu.memory_space<semaphore_mem>>
      %dma_start3A_291 = tpu.memref_slice %arg2[%mul3A_2] : memref<81920xf32, #tpu.memory_space<hbm>> -> memref<2560xf32, #tpu.memory_space<hbm>>
      %dma_start3A_292 = tpu.memref_slice %arg2[%mul3A_2] : memref<81920xf32, #tpu.memory_space<hbm>> -> memref<2560xf32, #tpu.memory_space<hbm>>
      tpu.enqueue_dma source(%dma_start3A_292 : memref<2560xf32, #tpu.memory_space<hbm>>) target(%arg10 : memref<2560xf32, #tpu.memory_space<vmem>>) target_semaphore(%run_scoped3A : memref<!tpu.dma_semaphore, #tpu.memory_space<semaphore_mem>>)
      %dma_wait3A_293 = tpu.memref_slice %arg2[%mul3A_2] : memref<81920xf32, #tpu.memory_space<hbm>> -> memref<2560xf32, #tpu.memory_space<hbm>>
      %dma_wait3A_294 = tpu.memref_slice %arg2[%mul3A_2] : memref<81920xf32, #tpu.memory_space<hbm>> -> memref<2560xf32, #tpu.memory_space<hbm>>
      tpu.wait_dma2 semaphore(%run_scoped3A : memref<!tpu.dma_semaphore, #tpu.memory_space<semaphore_mem>>) src(%dma_wait3A_294 : memref<2560xf32, #tpu.memory_space<hbm>>) dst(%arg10 : memref<2560xf32, #tpu.memory_space<vmem>>)
      tpu.yield
    }) : () -> ()
    "tpu.region"() ({
      %run_scoped3A = tpu.sem_alloc : memref<!tpu.dma_semaphore, #tpu.memory_space<semaphore_mem>>
      %dma_start3A_291 = tpu.memref_slice %arg3[%mul3A_2] : memref<81920xf32, #tpu.memory_space<hbm>> -> memref<2560xf32, #tpu.memory_space<hbm>>
      %dma_start3A_292 = tpu.memref_slice %arg3[%mul3A_2] : memref<81920xf32, #tpu.memory_space<hbm>> -> memref<2560xf32, #tpu.memory_space<hbm>>
      tpu.enqueue_dma source(%dma_start3A_292 : memref<2560xf32, #tpu.memory_space<hbm>>) target(%arg11 : memref<2560xf32, #tpu.memory_space<vmem>>) target_semaphore(%run_scoped3A : memref<!tpu.dma_semaphore, #tpu.memory_space<semaphore_mem>>)
      %dma_wait3A_293 = tpu.memref_slice %arg3[%mul3A_2] : memref<81920xf32, #tpu.memory_space<hbm>> -> memref<2560xf32, #tpu.memory_space<hbm>>
      %dma_wait3A_294 = tpu.memref_slice %arg3[%mul3A_2] : memref<81920xf32, #tpu.memory_space<hbm>> -> memref<2560xf32, #tpu.memory_space<hbm>>
      tpu.wait_dma2 semaphore(%run_scoped3A : memref<!tpu.dma_semaphore, #tpu.memory_space<semaphore_mem>>) src(%dma_wait3A_294 : memref<2560xf32, #tpu.memory_space<hbm>>) dst(%arg11 : memref<2560xf32, #tpu.memory_space<vmem>>)
      tpu.yield
    }) : () -> ()
    %mul3A_21 = arith.constant 200 : i32
    %mul3A_22 = arith.muli %select_n3A, %mul3A_21 : i32
    "tpu.region"() ({
      %run_scoped3A = tpu.sem_alloc : memref<!tpu.dma_semaphore, #tpu.memory_space<semaphore_mem>>
      %dma_start3A_291 = tpu.memref_slice %arg5[%mul3A_22] : memref<800xf32, #tpu.memory_space<hbm>> -> memref<200xf32, #tpu.memory_space<hbm>>
      %dma_start3A_292 = tpu.memref_slice %arg5[%mul3A_22] : memref<800xf32, #tpu.memory_space<hbm>> -> memref<200xf32, #tpu.memory_space<hbm>>
      tpu.enqueue_dma source(%dma_start3A_292 : memref<200xf32, #tpu.memory_space<hbm>>) target(%arg14 : memref<200xf32, #tpu.memory_space<vmem>>) target_semaphore(%run_scoped3A : memref<!tpu.dma_semaphore, #tpu.memory_space<semaphore_mem>>)
      %dma_wait3A_293 = tpu.memref_slice %arg5[%mul3A_22] : memref<800xf32, #tpu.memory_space<hbm>> -> memref<200xf32, #tpu.memory_space<hbm>>
      %dma_wait3A_294 = tpu.memref_slice %arg5[%mul3A_22] : memref<800xf32, #tpu.memory_space<hbm>> -> memref<200xf32, #tpu.memory_space<hbm>>
      tpu.wait_dma2 semaphore(%run_scoped3A : memref<!tpu.dma_semaphore, #tpu.memory_space<semaphore_mem>>) src(%dma_wait3A_294 : memref<200xf32, #tpu.memory_space<hbm>>) dst(%arg14 : memref<200xf32, #tpu.memory_space<vmem>>)
      tpu.yield
    }) : () -> ()
    %mul3A_23 = arith.constant 200 : i32
    %mul3A_24 = arith.muli %select_n3A, %mul3A_23 : i32
    "tpu.region"() ({
      %run_scoped3A = tpu.sem_alloc : memref<!tpu.dma_semaphore, #tpu.memory_space<semaphore_mem>>
      %dma_start3A_291 = tpu.memref_slice %arg6[%mul3A_24] : memref<800xf32, #tpu.memory_space<hbm>> -> memref<200xf32, #tpu.memory_space<hbm>>
      %dma_start3A_292 = tpu.memref_slice %arg6[%mul3A_24] : memref<800xf32, #tpu.memory_space<hbm>> -> memref<200xf32, #tpu.memory_space<hbm>>
      tpu.enqueue_dma source(%dma_start3A_292 : memref<200xf32, #tpu.memory_space<hbm>>) target(%arg15 : memref<200xf32, #tpu.memory_space<vmem>>) target_semaphore(%run_scoped3A : memref<!tpu.dma_semaphore, #tpu.memory_space<semaphore_mem>>)
      %dma_wait3A_293 = tpu.memref_slice %arg6[%mul3A_24] : memref<800xf32, #tpu.memory_space<hbm>> -> memref<200xf32, #tpu.memory_space<hbm>>
      %dma_wait3A_294 = tpu.memref_slice %arg6[%mul3A_24] : memref<800xf32, #tpu.memory_space<hbm>> -> memref<200xf32, #tpu.memory_space<hbm>>
      tpu.wait_dma2 semaphore(%run_scoped3A : memref<!tpu.dma_semaphore, #tpu.memory_space<semaphore_mem>>) src(%dma_wait3A_294 : memref<200xf32, #tpu.memory_space<hbm>>) dst(%arg15 : memref<200xf32, #tpu.memory_space<vmem>>)
      tpu.yield
    }) : () -> ()
    %scan3A = arith.constant 0 : i32
    %scan3A_25 = arith.constant 0 : i32
    %scan3A_26 = arith.constant 160 : i32
    %scan3A_27 = arith.addi %scan3A_25, %scan3A_26 : i32
    %scan3A_28 = arith.constant 1 : i32
    scf.for %scan3A_291 = %scan3A_25 to %scan3A_27 step %scan3A_28  : i32 {
      %mul3A_292 = arith.constant 16 : i32
      %mul3A_293 = arith.muli %scan3A_291, %mul3A_292 : i32
      %get3A = arith.index_cast %mul3A_293 : i32 to index
      %get3A_294 = tpu.vector_load %arg10[%get3A] {strides = array<i32>} : memref<2560xf32, #tpu.memory_space<vmem>>, vector<16xf32>,
      %mul3A_295 = arith.constant 16 : i32
      %mul3A_296 = arith.muli %scan3A_291, %mul3A_295 : i32
      %get3A_297 = arith.index_cast %mul3A_296 : i32 to index
      %get3A_298 = tpu.vector_load %arg11[%get3A_297] {strides = array<i32>} : memref<2560xf32, #tpu.memory_space<vmem>>, vector<16xf32>,
      %add3A_299 = arith.constant 0x4B000000 : f32
      %add3A_300 = vector.broadcast %add3A_299 : f32 to vector<16xf32>
      %add3A_301 = arith.addf %get3A_294, %add3A_300 : vector<16xf32>
      %sub3A_302 = arith.constant 0x4B000000 : f32
      %sub3A_303 = vector.broadcast %sub3A_302 : f32 to vector<16xf32>
      %sub3A_304 = arith.subf %add3A_301, %sub3A_303 : vector<16xf32>
      %add3A_305 = arith.constant 0x4B000000 : f32
      %add3A_306 = vector.broadcast %add3A_305 : f32 to vector<16xf32>
      %add3A_307 = arith.addf %get3A_298, %add3A_306 : vector<16xf32>
      %sub3A_308 = arith.constant 0x4B000000 : f32
      %sub3A_309 = vector.broadcast %sub3A_308 : f32 to vector<16xf32>
      %sub3A_310 = arith.subf %add3A_307, %sub3A_309 : vector<16xf32>
      %max3A = arith.constant 0.000000e+00 : f32
      %max3A_311 = vector.broadcast %max3A : f32 to vector<16xf32>
      %max3A_312 = arith.maximumf %sub3A_304, %max3A_311 : vector<16xf32>
      %min3A = arith.constant 5.110000e+02 : f32
      %min3A_313 = vector.broadcast %min3A : f32 to vector<16xf32>
      %min3A_314 = arith.minimumf %max3A_312, %min3A_313 : vector<16xf32>
      %max3A_315 = arith.constant 0.000000e+00 : f32
      %max3A_316 = vector.broadcast %max3A_315 : f32 to vector<16xf32>
      %max3A_317 = arith.maximumf %sub3A_310, %max3A_316 : vector<16xf32>
      %min3A_318 = arith.constant 5.110000e+02 : f32
      %min3A_319 = vector.broadcast %min3A_318 : f32 to vector<16xf32>
      %min3A_320 = arith.minimumf %max3A_317, %min3A_319 : vector<16xf32>
      %convert_element_type3A_321 = arith.fptosi %min3A_314 : vector<16xf32> to vector<16xi32>
      %convert_element_type3A_322 = arith.fptosi %min3A_320 : vector<16xf32> to vector<16xi32>
      %mul3A_323 = arith.constant 512 : i32
      %mul3A_324 = vector.broadcast %mul3A_323 : i32 to vector<16xi32>
      %mul3A_325 = arith.muli %convert_element_type3A_322, %mul3A_324 : vector<16xi32>
      %add3A_326 = arith.addi %mul3A_325, %convert_element_type3A_321 : vector<16xi32>
      %add3A_327 = vector.broadcast %mul3A_20 : i32 to vector<16xi32>
      %add3A_328 = arith.addi %add3A_326, %add3A_327 : vector<16xi32>
      %mul3A_329 = arith.constant 16 : i32
      %mul3A_330 = arith.muli %scan3A_291, %mul3A_329 : i32
      %swap3A = arith.index_cast %mul3A_330 : i32 to index
      %swap3A_331 = tpu.vector_load %arg12[%swap3A] {strides = array<i32>} : memref<2560xi32, #tpu.memory_space<vmem>>, vector<16xi32>,
      tpu.vector_store %arg12[%swap3A], %add3A_328 {strides = array<i32>} : memref<2560xi32, #tpu.memory_space<vmem>>, vector<16xi32>,
    }
    %scan3A_29 = arith.constant 160 : i32
    %dma_start3A = arith.constant 0 : i32
    %dma_start3A_30 = tpu.memref_slice %arg13[%dma_start3A] : memref<2560xi32, #tpu.memory_space<vmem>> -> memref<128xi32, #tpu.memory_space<vmem>>
    %dma_start3A_31 = arith.constant 0 : i32
    %dma_start3A_32 = tpu.memref_slice %arg12[%dma_start3A_31] : memref<2560xi32, #tpu.memory_space<vmem>> -> memref<128xi32, #tpu.memory_space<vmem>>
    %dma_start3A_33 = arith.constant 0 : i32
    %dma_start3A_34 = tpu.memref_slice %arg4[%dma_start3A_33] : memref<1048576xi32, #tpu.memory_space<hbm>> -> memref<1048576xi32, #tpu.memory_space<hbm>>
    tpu.enqueue_indirect_dma source(%dma_start3A_34 : memref<1048576xi32, #tpu.memory_space<hbm>>) target(%dma_start3A_30 : memref<128xi32, #tpu.memory_space<vmem>>) offsets(%dma_start3A_32 : memref<128xi32, #tpu.memory_space<vmem>>) semaphore(%arg18 : memref<!tpu.dma_semaphore, #tpu.memory_space<semaphore_mem>>)
    %dma_start3A_35 = arith.constant 128 : i32
    %dma_start3A_36 = tpu.memref_slice %arg13[%dma_start3A_35] : memref<2560xi32, #tpu.memory_space<vmem>> -> memref<128xi32, #tpu.memory_space<vmem>>
    %dma_start3A_37 = arith.constant 128 : i32
    %dma_start3A_38 = tpu.memref_slice %arg12[%dma_start3A_37] : memref<2560xi32, #tpu.memory_space<vmem>> -> memref<128xi32, #tpu.memory_space<vmem>>
    %dma_start3A_39 = arith.constant 0 : i32
    %dma_start3A_40 = tpu.memref_slice %arg4[%dma_start3A_39] : memref<1048576xi32, #tpu.memory_space<hbm>> -> memref<1048576xi32, #tpu.memory_space<hbm>>
    tpu.enqueue_indirect_dma source(%dma_start3A_40 : memref<1048576xi32, #tpu.memory_space<hbm>>) target(%dma_start3A_36 : memref<128xi32, #tpu.memory_space<vmem>>) offsets(%dma_start3A_38 : memref<128xi32, #tpu.memory_space<vmem>>) semaphore(%arg18 : memref<!tpu.dma_semaphore, #tpu.memory_space<semaphore_mem>>)
    %dma_start3A_41 = arith.constant 256 : i32
    %dma_start3A_42 = tpu.memref_slice %arg13[%dma_start3A_41] : memref<2560xi32, #tpu.memory_space<vmem>> -> memref<128xi32, #tpu.memory_space<vmem>>
    %dma_start3A_43 = arith.constant 256 : i32
    %dma_start3A_44 = tpu.memref_slice %arg12[%dma_start3A_43] : memref<2560xi32, #tpu.memory_space<vmem>> -> memref<128xi32, #tpu.memory_space<vmem>>
    %dma_start3A_45 = arith.constant 0 : i32
    %dma_start3A_46 = tpu.memref_slice %arg4[%dma_start3A_45] : memref<1048576xi32, #tpu.memory_space<hbm>> -> memref<1048576xi32, #tpu.memory_space<hbm>>
    tpu.enqueue_indirect_dma source(%dma_start3A_46 : memref<1048576xi32, #tpu.memory_space<hbm>>) target(%dma_start3A_42 : memref<128xi32, #tpu.memory_space<vmem>>) offsets(%dma_start3A_44 : memref<128xi32, #tpu.memory_space<vmem>>) semaphore(%arg18 : memref<!tpu.dma_semaphore, #tpu.memory_space<semaphore_mem>>)
    %dma_start3A_47 = arith.constant 384 : i32
    %dma_start3A_48 = tpu.memref_slice %arg13[%dma_start3A_47] : memref<2560xi32, #tpu.memory_space<vmem>> -> memref<128xi32, #tpu.memory_space<vmem>>
    %dma_start3A_49 = arith.constant 384 : i32
    %dma_start3A_50 = tpu.memref_slice %arg12[%dma_start3A_49] : memref<2560xi32, #tpu.memory_space<vmem>> -> memref<128xi32, #tpu.memory_space<vmem>>
    %dma_start3A_51 = arith.constant 0 : i32
    %dma_start3A_52 = tpu.memref_slice %arg4[%dma_start3A_51] : memref<1048576xi32, #tpu.memory_space<hbm>> -> memref<1048576xi32, #tpu.memory_space<hbm>>
    tpu.enqueue_indirect_dma source(%dma_start3A_52 : memref<1048576xi32, #tpu.memory_space<hbm>>) target(%dma_start3A_48 : memref<128xi32, #tpu.memory_space<vmem>>) offsets(%dma_start3A_50 : memref<128xi32, #tpu.memory_space<vmem>>) semaphore(%arg18 : memref<!tpu.dma_semaphore, #tpu.memory_space<semaphore_mem>>)
    %dma_start3A_53 = arith.constant 512 : i32
    %dma_start3A_54 = tpu.memref_slice %arg13[%dma_start3A_53] : memref<2560xi32, #tpu.memory_space<vmem>> -> memref<128xi32, #tpu.memory_space<vmem>>
    %dma_start3A_55 = arith.constant 512 : i32
    %dma_start3A_56 = tpu.memref_slice %arg12[%dma_start3A_55] : memref<2560xi32, #tpu.memory_space<vmem>> -> memref<128xi32, #tpu.memory_space<vmem>>
    %dma_start3A_57 = arith.constant 0 : i32
    %dma_start3A_58 = tpu.memref_slice %arg4[%dma_start3A_57] : memref<1048576xi32, #tpu.memory_space<hbm>> -> memref<1048576xi32, #tpu.memory_space<hbm>>
    tpu.enqueue_indirect_dma source(%dma_start3A_58 : memref<1048576xi32, #tpu.memory_space<hbm>>) target(%dma_start3A_54 : memref<128xi32, #tpu.memory_space<vmem>>) offsets(%dma_start3A_56 : memref<128xi32, #tpu.memory_space<vmem>>) semaphore(%arg18 : memref<!tpu.dma_semaphore, #tpu.memory_space<semaphore_mem>>)
    %dma_start3A_59 = arith.constant 640 : i32
    %dma_start3A_60 = tpu.memref_slice %arg13[%dma_start3A_59] : memref<2560xi32, #tpu.memory_space<vmem>> -> memref<128xi32, #tpu.memory_space<vmem>>
    %dma_start3A_61 = arith.constant 640 : i32
    %dma_start3A_62 = tpu.memref_slice %arg12[%dma_start3A_61] : memref<2560xi32, #tpu.memory_space<vmem>> -> memref<128xi32, #tpu.memory_space<vmem>>
    %dma_start3A_63 = arith.constant 0 : i32
    %dma_start3A_64 = tpu.memref_slice %arg4[%dma_start3A_63] : memref<1048576xi32, #tpu.memory_space<hbm>> -> memref<1048576xi32, #tpu.memory_space<hbm>>
    tpu.enqueue_indirect_dma source(%dma_start3A_64 : memref<1048576xi32, #tpu.memory_space<hbm>>) target(%dma_start3A_60 : memref<128xi32, #tpu.memory_space<vmem>>) offsets(%dma_start3A_62 : memref<128xi32, #tpu.memory_space<vmem>>) semaphore(%arg18 : memref<!tpu.dma_semaphore, #tpu.memory_space<semaphore_mem>>)
    %dma_start3A_65 = arith.constant 768 : i32
    %dma_start3A_66 = tpu.memref_slice %arg13[%dma_start3A_65] : memref<2560xi32, #tpu.memory_space<vmem>> -> memref<128xi32, #tpu.memory_space<vmem>>
    %dma_start3A_67 = arith.constant 768 : i32
    %dma_start3A_68 = tpu.memref_slice %arg12[%dma_start3A_67] : memref<2560xi32, #tpu.memory_space<vmem>> -> memref<128xi32, #tpu.memory_space<vmem>>
    %dma_start3A_69 = arith.constant 0 : i32
    %dma_start3A_70 = tpu.memref_slice %arg4[%dma_start3A_69] : memref<1048576xi32, #tpu.memory_space<hbm>> -> memref<1048576xi32, #tpu.memory_space<hbm>>
    tpu.enqueue_indirect_dma source(%dma_start3A_70 : memref<1048576xi32, #tpu.memory_space<hbm>>) target(%dma_start3A_66 : memref<128xi32, #tpu.memory_space<vmem>>) offsets(%dma_start3A_68 : memref<128xi32, #tpu.memory_space<vmem>>) semaphore(%arg18 : memref<!tpu.dma_semaphore, #tpu.memory_space<semaphore_mem>>)
    %dma_start3A_71 = arith.constant 896 : i32
    %dma_start3A_72 = tpu.memref_slice %arg13[%dma_start3A_71] : memref<2560xi32, #tpu.memory_space<vmem>> -> memref<128xi32, #tpu.memory_space<vmem>>
    %dma_start3A_73 = arith.constant 896 : i32
    %dma_start3A_74 = tpu.memref_slice %arg12[%dma_start3A_73] : memref<2560xi32, #tpu.memory_space<vmem>> -> memref<128xi32, #tpu.memory_space<vmem>>
    %dma_start3A_75 = arith.constant 0 : i32
    %dma_start3A_76 = tpu.memref_slice %arg4[%dma_start3A_75] : memref<1048576xi32, #tpu.memory_space<hbm>> -> memref<1048576xi32, #tpu.memory_space<hbm>>
    tpu.enqueue_indirect_dma source(%dma_start3A_76 : memref<1048576xi32, #tpu.memory_space<hbm>>) target(%dma_start3A_72 : memref<128xi32, #tpu.memory_space<vmem>>) offsets(%dma_start3A_74 : memref<128xi32, #tpu.memory_space<vmem>>) semaphore(%arg18 : memref<!tpu.dma_semaphore, #tpu.memory_space<semaphore_mem>>)
    %dma_start3A_77 = arith.constant 1024 : i32
    %dma_start3A_78 = tpu.memref_slice %arg13[%dma_start3A_77] : memref<2560xi32, #tpu.memory_space<vmem>> -> memref<128xi32, #tpu.memory_space<vmem>>
    %dma_start3A_79 = arith.constant 1024 : i32
    %dma_start3A_80 = tpu.memref_slice %arg12[%dma_start3A_79] : memref<2560xi32, #tpu.memory_space<vmem>> -> memref<128xi32, #tpu.memory_space<vmem>>
    %dma_start3A_81 = arith.constant 0 : i32
    %dma_start3A_82 = tpu.memref_slice %arg4[%dma_start3A_81] : memref<1048576xi32, #tpu.memory_space<hbm>> -> memref<1048576xi32, #tpu.memory_space<hbm>>
    tpu.enqueue_indirect_dma source(%dma_start3A_82 : memref<1048576xi32, #tpu.memory_space<hbm>>) target(%dma_start3A_78 : memref<128xi32, #tpu.memory_space<vmem>>) offsets(%dma_start3A_80 : memref<128xi32, #tpu.memory_space<vmem>>) semaphore(%arg18 : memref<!tpu.dma_semaphore, #tpu.memory_space<semaphore_mem>>)
    %dma_start3A_83 = arith.constant 1152 : i32
    %dma_start3A_84 = tpu.memref_slice %arg13[%dma_start3A_83] : memref<2560xi32, #tpu.memory_space<vmem>> -> memref<128xi32, #tpu.memory_space<vmem>>
    %dma_start3A_85 = arith.constant 1152 : i32
    %dma_start3A_86 = tpu.memref_slice %arg12[%dma_start3A_85] : memref<2560xi32, #tpu.memory_space<vmem>> -> memref<128xi32, #tpu.memory_space<vmem>>
    %dma_start3A_87 = arith.constant 0 : i32
    %dma_start3A_88 = tpu.memref_slice %arg4[%dma_start3A_87] : memref<1048576xi32, #tpu.memory_space<hbm>> -> memref<1048576xi32, #tpu.memory_space<hbm>>
    tpu.enqueue_indirect_dma source(%dma_start3A_88 : memref<1048576xi32, #tpu.memory_space<hbm>>) target(%dma_start3A_84 : memref<128xi32, #tpu.memory_space<vmem>>) offsets(%dma_start3A_86 : memref<128xi32, #tpu.memory_space<vmem>>) semaphore(%arg18 : memref<!tpu.dma_semaphore, #tpu.memory_space<semaphore_mem>>)
    %dma_start3A_89 = arith.constant 1280 : i32
    %dma_start3A_90 = tpu.memref_slice %arg13[%dma_start3A_89] : memref<2560xi32, #tpu.memory_space<vmem>> -> memref<128xi32, #tpu.memory_space<vmem>>
    %dma_start3A_91 = arith.constant 1280 : i32
    %dma_start3A_92 = tpu.memref_slice %arg12[%dma_start3A_91] : memref<2560xi32, #tpu.memory_space<vmem>> -> memref<128xi32, #tpu.memory_space<vmem>>
    %dma_start3A_93 = arith.constant 0 : i32
    %dma_start3A_94 = tpu.memref_slice %arg4[%dma_start3A_93] : memref<1048576xi32, #tpu.memory_space<hbm>> -> memref<1048576xi32, #tpu.memory_space<hbm>>
    tpu.enqueue_indirect_dma source(%dma_start3A_94 : memref<1048576xi32, #tpu.memory_space<hbm>>) target(%dma_start3A_90 : memref<128xi32, #tpu.memory_space<vmem>>) offsets(%dma_start3A_92 : memref<128xi32, #tpu.memory_space<vmem>>) semaphore(%arg18 : memref<!tpu.dma_semaphore, #tpu.memory_space<semaphore_mem>>)
    %dma_start3A_95 = arith.constant 1408 : i32
    %dma_start3A_96 = tpu.memref_slice %arg13[%dma_start3A_95] : memref<2560xi32, #tpu.memory_space<vmem>> -> memref<128xi32, #tpu.memory_space<vmem>>
    %dma_start3A_97 = arith.constant 1408 : i32
    %dma_start3A_98 = tpu.memref_slice %arg12[%dma_start3A_97] : memref<2560xi32, #tpu.memory_space<vmem>> -> memref<128xi32, #tpu.memory_space<vmem>>
    %dma_start3A_99 = arith.constant 0 : i32
    %dma_start3A_100 = tpu.memref_slice %arg4[%dma_start3A_99] : memref<1048576xi32, #tpu.memory_space<hbm>> -> memref<1048576xi32, #tpu.memory_space<hbm>>
    tpu.enqueue_indirect_dma source(%dma_start3A_100 : memref<1048576xi32, #tpu.memory_space<hbm>>) target(%dma_start3A_96 : memref<128xi32, #tpu.memory_space<vmem>>) offsets(%dma_start3A_98 : memref<128xi32, #tpu.memory_space<vmem>>) semaphore(%arg18 : memref<!tpu.dma_semaphore, #tpu.memory_space<semaphore_mem>>)
    %dma_start3A_101 = arith.constant 1536 : i32
    %dma_start3A_102 = tpu.memref_slice %arg13[%dma_start3A_101] : memref<2560xi32, #tpu.memory_space<vmem>> -> memref<128xi32, #tpu.memory_space<vmem>>
    %dma_start3A_103 = arith.constant 1536 : i32
    %dma_start3A_104 = tpu.memref_slice %arg12[%dma_start3A_103] : memref<2560xi32, #tpu.memory_space<vmem>> -> memref<128xi32, #tpu.memory_space<vmem>>
    %dma_start3A_105 = arith.constant 0 : i32
    %dma_start3A_106 = tpu.memref_slice %arg4[%dma_start3A_105] : memref<1048576xi32, #tpu.memory_space<hbm>> -> memref<1048576xi32, #tpu.memory_space<hbm>>
    tpu.enqueue_indirect_dma source(%dma_start3A_106 : memref<1048576xi32, #tpu.memory_space<hbm>>) target(%dma_start3A_102 : memref<128xi32, #tpu.memory_space<vmem>>) offsets(%dma_start3A_104 : memref<128xi32, #tpu.memory_space<vmem>>) semaphore(%arg18 : memref<!tpu.dma_semaphore, #tpu.memory_space<semaphore_mem>>)
    %dma_start3A_107 = arith.constant 1664 : i32
    %dma_start3A_108 = tpu.memref_slice %arg13[%dma_start3A_107] : memref<2560xi32, #tpu.memory_space<vmem>> -> memref<128xi32, #tpu.memory_space<vmem>>
    %dma_start3A_109 = arith.constant 1664 : i32
    %dma_start3A_110 = tpu.memref_slice %arg12[%dma_start3A_109] : memref<2560xi32, #tpu.memory_space<vmem>> -> memref<128xi32, #tpu.memory_space<vmem>>
    %dma_start3A_111 = arith.constant 0 : i32
    %dma_start3A_112 = tpu.memref_slice %arg4[%dma_start3A_111] : memref<1048576xi32, #tpu.memory_space<hbm>> -> memref<1048576xi32, #tpu.memory_space<hbm>>
    tpu.enqueue_indirect_dma source(%dma_start3A_112 : memref<1048576xi32, #tpu.memory_space<hbm>>) target(%dma_start3A_108 : memref<128xi32, #tpu.memory_space<vmem>>) offsets(%dma_start3A_110 : memref<128xi32, #tpu.memory_space<vmem>>) semaphore(%arg18 : memref<!tpu.dma_semaphore, #tpu.memory_space<semaphore_mem>>)
    %dma_start3A_113 = arith.constant 1792 : i32
    %dma_start3A_114 = tpu.memref_slice %arg13[%dma_start3A_113] : memref<2560xi32, #tpu.memory_space<vmem>> -> memref<128xi32, #tpu.memory_space<vmem>>
    %dma_start3A_115 = arith.constant 1792 : i32
    %dma_start3A_116 = tpu.memref_slice %arg12[%dma_start3A_115] : memref<2560xi32, #tpu.memory_space<vmem>> -> memref<128xi32, #tpu.memory_space<vmem>>
    %dma_start3A_117 = arith.constant 0 : i32
    %dma_start3A_118 = tpu.memref_slice %arg4[%dma_start3A_117] : memref<1048576xi32, #tpu.memory_space<hbm>> -> memref<1048576xi32, #tpu.memory_space<hbm>>
    tpu.enqueue_indirect_dma source(%dma_start3A_118 : memref<1048576xi32, #tpu.memory_space<hbm>>) target(%dma_start3A_114 : memref<128xi32, #tpu.memory_space<vmem>>) offsets(%dma_start3A_116 : memref<128xi32, #tpu.memory_space<vmem>>) semaphore(%arg18 : memref<!tpu.dma_semaphore, #tpu.memory_space<semaphore_mem>>)
    %dma_start3A_119 = arith.constant 1920 : i32
    %dma_start3A_120 = tpu.memref_slice %arg13[%dma_start3A_119] : memref<2560xi32, #tpu.memory_space<vmem>> -> memref<128xi32, #tpu.memory_space<vmem>>
    %dma_start3A_121 = arith.constant 1920 : i32
    %dma_start3A_122 = tpu.memref_slice %arg12[%dma_start3A_121] : memref<2560xi32, #tpu.memory_space<vmem>> -> memref<128xi32, #tpu.memory_space<vmem>>
    %dma_start3A_123 = arith.constant 0 : i32
    %dma_start3A_124 = tpu.memref_slice %arg4[%dma_start3A_123] : memref<1048576xi32, #tpu.memory_space<hbm>> -> memref<1048576xi32, #tpu.memory_space<hbm>>
    tpu.enqueue_indirect_dma source(%dma_start3A_124 : memref<1048576xi32, #tpu.memory_space<hbm>>) target(%dma_start3A_120 : memref<128xi32, #tpu.memory_space<vmem>>) offsets(%dma_start3A_122 : memref<128xi32, #tpu.memory_space<vmem>>) semaphore(%arg18 : memref<!tpu.dma_semaphore, #tpu.memory_space<semaphore_mem>>)
    %dma_start3A_125 = arith.constant 2048 : i32
    %dma_start3A_126 = tpu.memref_slice %arg13[%dma_start3A_125] : memref<2560xi32, #tpu.memory_space<vmem>> -> memref<128xi32, #tpu.memory_space<vmem>>
    %dma_start3A_127 = arith.constant 2048 : i32
    %dma_start3A_128 = tpu.memref_slice %arg12[%dma_start3A_127] : memref<2560xi32, #tpu.memory_space<vmem>> -> memref<128xi32, #tpu.memory_space<vmem>>
    %dma_start3A_129 = arith.constant 0 : i32
    %dma_start3A_130 = tpu.memref_slice %arg4[%dma_start3A_129] : memref<1048576xi32, #tpu.memory_space<hbm>> -> memref<1048576xi32, #tpu.memory_space<hbm>>
    tpu.enqueue_indirect_dma source(%dma_start3A_130 : memref<1048576xi32, #tpu.memory_space<hbm>>) target(%dma_start3A_126 : memref<128xi32, #tpu.memory_space<vmem>>) offsets(%dma_start3A_128 : memref<128xi32, #tpu.memory_space<vmem>>) semaphore(%arg18 : memref<!tpu.dma_semaphore, #tpu.memory_space<semaphore_mem>>)
    %dma_start3A_131 = arith.constant 2176 : i32
    %dma_start3A_132 = tpu.memref_slice %arg13[%dma_start3A_131] : memref<2560xi32, #tpu.memory_space<vmem>> -> memref<128xi32, #tpu.memory_space<vmem>>
    %dma_start3A_133 = arith.constant 2176 : i32
    %dma_start3A_134 = tpu.memref_slice %arg12[%dma_start3A_133] : memref<2560xi32, #tpu.memory_space<vmem>> -> memref<128xi32, #tpu.memory_space<vmem>>
    %dma_start3A_135 = arith.constant 0 : i32
    %dma_start3A_136 = tpu.memref_slice %arg4[%dma_start3A_135] : memref<1048576xi32, #tpu.memory_space<hbm>> -> memref<1048576xi32, #tpu.memory_space<hbm>>
    tpu.enqueue_indirect_dma source(%dma_start3A_136 : memref<1048576xi32, #tpu.memory_space<hbm>>) target(%dma_start3A_132 : memref<128xi32, #tpu.memory_space<vmem>>) offsets(%dma_start3A_134 : memref<128xi32, #tpu.memory_space<vmem>>) semaphore(%arg18 : memref<!tpu.dma_semaphore, #tpu.memory_space<semaphore_mem>>)
    %dma_start3A_137 = arith.constant 2304 : i32
    %dma_start3A_138 = tpu.memref_slice %arg13[%dma_start3A_137] : memref<2560xi32, #tpu.memory_space<vmem>> -> memref<128xi32, #tpu.memory_space<vmem>>
    %dma_start3A_139 = arith.constant 2304 : i32
    %dma_start3A_140 = tpu.memref_slice %arg12[%dma_start3A_139] : memref<2560xi32, #tpu.memory_space<vmem>> -> memref<128xi32, #tpu.memory_space<vmem>>
    %dma_start3A_141 = arith.constant 0 : i32
    %dma_start3A_142 = tpu.memref_slice %arg4[%dma_start3A_141] : memref<1048576xi32, #tpu.memory_space<hbm>> -> memref<1048576xi32, #tpu.memory_space<hbm>>
    tpu.enqueue_indirect_dma source(%dma_start3A_142 : memref<1048576xi32, #tpu.memory_space<hbm>>) target(%dma_start3A_138 : memref<128xi32, #tpu.memory_space<vmem>>) offsets(%dma_start3A_140 : memref<128xi32, #tpu.memory_space<vmem>>) semaphore(%arg18 : memref<!tpu.dma_semaphore, #tpu.memory_space<semaphore_mem>>)
    %dma_start3A_143 = arith.constant 2432 : i32
    %dma_start3A_144 = tpu.memref_slice %arg13[%dma_start3A_143] : memref<2560xi32, #tpu.memory_space<vmem>> -> memref<128xi32, #tpu.memory_space<vmem>>
    %dma_start3A_145 = arith.constant 2432 : i32
    %dma_start3A_146 = tpu.memref_slice %arg12[%dma_start3A_145] : memref<2560xi32, #tpu.memory_space<vmem>> -> memref<128xi32, #tpu.memory_space<vmem>>
    %dma_start3A_147 = arith.constant 0 : i32
    %dma_start3A_148 = tpu.memref_slice %arg4[%dma_start3A_147] : memref<1048576xi32, #tpu.memory_space<hbm>> -> memref<1048576xi32, #tpu.memory_space<hbm>>
    tpu.enqueue_indirect_dma source(%dma_start3A_148 : memref<1048576xi32, #tpu.memory_space<hbm>>) target(%dma_start3A_144 : memref<128xi32, #tpu.memory_space<vmem>>) offsets(%dma_start3A_146 : memref<128xi32, #tpu.memory_space<vmem>>) semaphore(%arg18 : memref<!tpu.dma_semaphore, #tpu.memory_space<semaphore_mem>>)
    %dma_wait3A = arith.constant 0 : i32
    %dma_wait3A_149 = tpu.memref_slice %arg13[%dma_wait3A] : memref<2560xi32, #tpu.memory_space<vmem>> -> memref<128xi32, #tpu.memory_space<vmem>>
    %dma_wait3A_150 = arith.constant 0 : i32
    %dma_wait3A_151 = tpu.memref_slice %arg12[%dma_wait3A_150] : memref<2560xi32, #tpu.memory_space<vmem>> -> memref<128xi32, #tpu.memory_space<vmem>>
    %dma_wait3A_152 = arith.constant 0 : i32
    %dma_wait3A_153 = tpu.memref_slice %arg4[%dma_wait3A_152] : memref<1048576xi32, #tpu.memory_space<hbm>> -> memref<1048576xi32, #tpu.memory_space<hbm>>
    tpu.wait_indirect_dma semaphore(%arg18 : memref<!tpu.dma_semaphore, #tpu.memory_space<semaphore_mem>>) src(%dma_wait3A_153 : memref<1048576xi32, #tpu.memory_space<hbm>>) dst(%dma_wait3A_149 : memref<128xi32, #tpu.memory_space<vmem>>)
    %dma_wait3A_154 = arith.constant 128 : i32
    %dma_wait3A_155 = tpu.memref_slice %arg13[%dma_wait3A_154] : memref<2560xi32, #tpu.memory_space<vmem>> -> memref<128xi32, #tpu.memory_space<vmem>>
    %dma_wait3A_156 = arith.constant 128 : i32
    %dma_wait3A_157 = tpu.memref_slice %arg12[%dma_wait3A_156] : memref<2560xi32, #tpu.memory_space<vmem>> -> memref<128xi32, #tpu.memory_space<vmem>>
    %dma_wait3A_158 = arith.constant 0 : i32
    %dma_wait3A_159 = tpu.memref_slice %arg4[%dma_wait3A_158] : memref<1048576xi32, #tpu.memory_space<hbm>> -> memref<1048576xi32, #tpu.memory_space<hbm>>
    tpu.wait_indirect_dma semaphore(%arg18 : memref<!tpu.dma_semaphore, #tpu.memory_space<semaphore_mem>>) src(%dma_wait3A_159 : memref<1048576xi32, #tpu.memory_space<hbm>>) dst(%dma_wait3A_155 : memref<128xi32, #tpu.memory_space<vmem>>)
    %dma_wait3A_160 = arith.constant 256 : i32
    %dma_wait3A_161 = tpu.memref_slice %arg13[%dma_wait3A_160] : memref<2560xi32, #tpu.memory_space<vmem>> -> memref<128xi32, #tpu.memory_space<vmem>>
    %dma_wait3A_162 = arith.constant 256 : i32
    %dma_wait3A_163 = tpu.memref_slice %arg12[%dma_wait3A_162] : memref<2560xi32, #tpu.memory_space<vmem>> -> memref<128xi32, #tpu.memory_space<vmem>>
    %dma_wait3A_164 = arith.constant 0 : i32
    %dma_wait3A_165 = tpu.memref_slice %arg4[%dma_wait3A_164] : memref<1048576xi32, #tpu.memory_space<hbm>> -> memref<1048576xi32, #tpu.memory_space<hbm>>
    tpu.wait_indirect_dma semaphore(%arg18 : memref<!tpu.dma_semaphore, #tpu.memory_space<semaphore_mem>>) src(%dma_wait3A_165 : memref<1048576xi32, #tpu.memory_space<hbm>>) dst(%dma_wait3A_161 : memref<128xi32, #tpu.memory_space<vmem>>)
    %dma_wait3A_166 = arith.constant 384 : i32
    %dma_wait3A_167 = tpu.memref_slice %arg13[%dma_wait3A_166] : memref<2560xi32, #tpu.memory_space<vmem>> -> memref<128xi32, #tpu.memory_space<vmem>>
    %dma_wait3A_168 = arith.constant 384 : i32
    %dma_wait3A_169 = tpu.memref_slice %arg12[%dma_wait3A_168] : memref<2560xi32, #tpu.memory_space<vmem>> -> memref<128xi32, #tpu.memory_space<vmem>>
    %dma_wait3A_170 = arith.constant 0 : i32
    %dma_wait3A_171 = tpu.memref_slice %arg4[%dma_wait3A_170] : memref<1048576xi32, #tpu.memory_space<hbm>> -> memref<1048576xi32, #tpu.memory_space<hbm>>
    tpu.wait_indirect_dma semaphore(%arg18 : memref<!tpu.dma_semaphore, #tpu.memory_space<semaphore_mem>>) src(%dma_wait3A_171 : memref<1048576xi32, #tpu.memory_space<hbm>>) dst(%dma_wait3A_167 : memref<128xi32, #tpu.memory_space<vmem>>)
    %dma_wait3A_172 = arith.constant 512 : i32
    %dma_wait3A_173 = tpu.memref_slice %arg13[%dma_wait3A_172] : memref<2560xi32, #tpu.memory_space<vmem>> -> memref<128xi32, #tpu.memory_space<vmem>>
    %dma_wait3A_174 = arith.constant 512 : i32
    %dma_wait3A_175 = tpu.memref_slice %arg12[%dma_wait3A_174] : memref<2560xi32, #tpu.memory_space<vmem>> -> memref<128xi32, #tpu.memory_space<vmem>>
    %dma_wait3A_176 = arith.constant 0 : i32
    %dma_wait3A_177 = tpu.memref_slice %arg4[%dma_wait3A_176] : memref<1048576xi32, #tpu.memory_space<hbm>> -> memref<1048576xi32, #tpu.memory_space<hbm>>
    tpu.wait_indirect_dma semaphore(%arg18 : memref<!tpu.dma_semaphore, #tpu.memory_space<semaphore_mem>>) src(%dma_wait3A_177 : memref<1048576xi32, #tpu.memory_space<hbm>>) dst(%dma_wait3A_173 : memref<128xi32, #tpu.memory_space<vmem>>)
    %dma_wait3A_178 = arith.constant 640 : i32
    %dma_wait3A_179 = tpu.memref_slice %arg13[%dma_wait3A_178] : memref<2560xi32, #tpu.memory_space<vmem>> -> memref<128xi32, #tpu.memory_space<vmem>>
    %dma_wait3A_180 = arith.constant 640 : i32
    %dma_wait3A_181 = tpu.memref_slice %arg12[%dma_wait3A_180] : memref<2560xi32, #tpu.memory_space<vmem>> -> memref<128xi32, #tpu.memory_space<vmem>>
    %dma_wait3A_182 = arith.constant 0 : i32
    %dma_wait3A_183 = tpu.memref_slice %arg4[%dma_wait3A_182] : memref<1048576xi32, #tpu.memory_space<hbm>> -> memref<1048576xi32, #tpu.memory_space<hbm>>
    tpu.wait_indirect_dma semaphore(%arg18 : memref<!tpu.dma_semaphore, #tpu.memory_space<semaphore_mem>>) src(%dma_wait3A_183 : memref<1048576xi32, #tpu.memory_space<hbm>>) dst(%dma_wait3A_179 : memref<128xi32, #tpu.memory_space<vmem>>)
    %dma_wait3A_184 = arith.constant 768 : i32
    %dma_wait3A_185 = tpu.memref_slice %arg13[%dma_wait3A_184] : memref<2560xi32, #tpu.memory_space<vmem>> -> memref<128xi32, #tpu.memory_space<vmem>>
    %dma_wait3A_186 = arith.constant 768 : i32
    %dma_wait3A_187 = tpu.memref_slice %arg12[%dma_wait3A_186] : memref<2560xi32, #tpu.memory_space<vmem>> -> memref<128xi32, #tpu.memory_space<vmem>>
    %dma_wait3A_188 = arith.constant 0 : i32
    %dma_wait3A_189 = tpu.memref_slice %arg4[%dma_wait3A_188] : memref<1048576xi32, #tpu.memory_space<hbm>> -> memref<1048576xi32, #tpu.memory_space<hbm>>
    tpu.wait_indirect_dma semaphore(%arg18 : memref<!tpu.dma_semaphore, #tpu.memory_space<semaphore_mem>>) src(%dma_wait3A_189 : memref<1048576xi32, #tpu.memory_space<hbm>>) dst(%dma_wait3A_185 : memref<128xi32, #tpu.memory_space<vmem>>)
    %dma_wait3A_190 = arith.constant 896 : i32
    %dma_wait3A_191 = tpu.memref_slice %arg13[%dma_wait3A_190] : memref<2560xi32, #tpu.memory_space<vmem>> -> memref<128xi32, #tpu.memory_space<vmem>>
    %dma_wait3A_192 = arith.constant 896 : i32
    %dma_wait3A_193 = tpu.memref_slice %arg12[%dma_wait3A_192] : memref<2560xi32, #tpu.memory_space<vmem>> -> memref<128xi32, #tpu.memory_space<vmem>>
    %dma_wait3A_194 = arith.constant 0 : i32
    %dma_wait3A_195 = tpu.memref_slice %arg4[%dma_wait3A_194] : memref<1048576xi32, #tpu.memory_space<hbm>> -> memref<1048576xi32, #tpu.memory_space<hbm>>
    tpu.wait_indirect_dma semaphore(%arg18 : memref<!tpu.dma_semaphore, #tpu.memory_space<semaphore_mem>>) src(%dma_wait3A_195 : memref<1048576xi32, #tpu.memory_space<hbm>>) dst(%dma_wait3A_191 : memref<128xi32, #tpu.memory_space<vmem>>)
    %dma_wait3A_196 = arith.constant 1024 : i32
    %dma_wait3A_197 = tpu.memref_slice %arg13[%dma_wait3A_196] : memref<2560xi32, #tpu.memory_space<vmem>> -> memref<128xi32, #tpu.memory_space<vmem>>
    %dma_wait3A_198 = arith.constant 1024 : i32
    %dma_wait3A_199 = tpu.memref_slice %arg12[%dma_wait3A_198] : memref<2560xi32, #tpu.memory_space<vmem>> -> memref<128xi32, #tpu.memory_space<vmem>>
    %dma_wait3A_200 = arith.constant 0 : i32
    %dma_wait3A_201 = tpu.memref_slice %arg4[%dma_wait3A_200] : memref<1048576xi32, #tpu.memory_space<hbm>> -> memref<1048576xi32, #tpu.memory_space<hbm>>
    tpu.wait_indirect_dma semaphore(%arg18 : memref<!tpu.dma_semaphore, #tpu.memory_space<semaphore_mem>>) src(%dma_wait3A_201 : memref<1048576xi32, #tpu.memory_space<hbm>>) dst(%dma_wait3A_197 : memref<128xi32, #tpu.memory_space<vmem>>)
    %dma_wait3A_202 = arith.constant 1152 : i32
    %dma_wait3A_203 = tpu.memref_slice %arg13[%dma_wait3A_202] : memref<2560xi32, #tpu.memory_space<vmem>> -> memref<128xi32, #tpu.memory_space<vmem>>
    %dma_wait3A_204 = arith.constant 1152 : i32
    %dma_wait3A_205 = tpu.memref_slice %arg12[%dma_wait3A_204] : memref<2560xi32, #tpu.memory_space<vmem>> -> memref<128xi32, #tpu.memory_space<vmem>>
    %dma_wait3A_206 = arith.constant 0 : i32
    %dma_wait3A_207 = tpu.memref_slice %arg4[%dma_wait3A_206] : memref<1048576xi32, #tpu.memory_space<hbm>> -> memref<1048576xi32, #tpu.memory_space<hbm>>
    tpu.wait_indirect_dma semaphore(%arg18 : memref<!tpu.dma_semaphore, #tpu.memory_space<semaphore_mem>>) src(%dma_wait3A_207 : memref<1048576xi32, #tpu.memory_space<hbm>>) dst(%dma_wait3A_203 : memref<128xi32, #tpu.memory_space<vmem>>)
    %dma_wait3A_208 = arith.constant 1280 : i32
    %dma_wait3A_209 = tpu.memref_slice %arg13[%dma_wait3A_208] : memref<2560xi32, #tpu.memory_space<vmem>> -> memref<128xi32, #tpu.memory_space<vmem>>
    %dma_wait3A_210 = arith.constant 1280 : i32
    %dma_wait3A_211 = tpu.memref_slice %arg12[%dma_wait3A_210] : memref<2560xi32, #tpu.memory_space<vmem>> -> memref<128xi32, #tpu.memory_space<vmem>>
    %dma_wait3A_212 = arith.constant 0 : i32
    %dma_wait3A_213 = tpu.memref_slice %arg4[%dma_wait3A_212] : memref<1048576xi32, #tpu.memory_space<hbm>> -> memref<1048576xi32, #tpu.memory_space<hbm>>
    tpu.wait_indirect_dma semaphore(%arg18 : memref<!tpu.dma_semaphore, #tpu.memory_space<semaphore_mem>>) src(%dma_wait3A_213 : memref<1048576xi32, #tpu.memory_space<hbm>>) dst(%dma_wait3A_209 : memref<128xi32, #tpu.memory_space<vmem>>)
    %dma_wait3A_214 = arith.constant 1408 : i32
    %dma_wait3A_215 = tpu.memref_slice %arg13[%dma_wait3A_214] : memref<2560xi32, #tpu.memory_space<vmem>> -> memref<128xi32, #tpu.memory_space<vmem>>
    %dma_wait3A_216 = arith.constant 1408 : i32
    %dma_wait3A_217 = tpu.memref_slice %arg12[%dma_wait3A_216] : memref<2560xi32, #tpu.memory_space<vmem>> -> memref<128xi32, #tpu.memory_space<vmem>>
    %dma_wait3A_218 = arith.constant 0 : i32
    %dma_wait3A_219 = tpu.memref_slice %arg4[%dma_wait3A_218] : memref<1048576xi32, #tpu.memory_space<hbm>> -> memref<1048576xi32, #tpu.memory_space<hbm>>
    tpu.wait_indirect_dma semaphore(%arg18 : memref<!tpu.dma_semaphore, #tpu.memory_space<semaphore_mem>>) src(%dma_wait3A_219 : memref<1048576xi32, #tpu.memory_space<hbm>>) dst(%dma_wait3A_215 : memref<128xi32, #tpu.memory_space<vmem>>)
    %dma_wait3A_220 = arith.constant 1536 : i32
    %dma_wait3A_221 = tpu.memref_slice %arg13[%dma_wait3A_220] : memref<2560xi32, #tpu.memory_space<vmem>> -> memref<128xi32, #tpu.memory_space<vmem>>
    %dma_wait3A_222 = arith.constant 1536 : i32
    %dma_wait3A_223 = tpu.memref_slice %arg12[%dma_wait3A_222] : memref<2560xi32, #tpu.memory_space<vmem>> -> memref<128xi32, #tpu.memory_space<vmem>>
    %dma_wait3A_224 = arith.constant 0 : i32
    %dma_wait3A_225 = tpu.memref_slice %arg4[%dma_wait3A_224] : memref<1048576xi32, #tpu.memory_space<hbm>> -> memref<1048576xi32, #tpu.memory_space<hbm>>
    tpu.wait_indirect_dma semaphore(%arg18 : memref<!tpu.dma_semaphore, #tpu.memory_space<semaphore_mem>>) src(%dma_wait3A_225 : memref<1048576xi32, #tpu.memory_space<hbm>>) dst(%dma_wait3A_221 : memref<128xi32, #tpu.memory_space<vmem>>)
    %dma_wait3A_226 = arith.constant 1664 : i32
    %dma_wait3A_227 = tpu.memref_slice %arg13[%dma_wait3A_226] : memref<2560xi32, #tpu.memory_space<vmem>> -> memref<128xi32, #tpu.memory_space<vmem>>
    %dma_wait3A_228 = arith.constant 1664 : i32
    %dma_wait3A_229 = tpu.memref_slice %arg12[%dma_wait3A_228] : memref<2560xi32, #tpu.memory_space<vmem>> -> memref<128xi32, #tpu.memory_space<vmem>>
    %dma_wait3A_230 = arith.constant 0 : i32
    %dma_wait3A_231 = tpu.memref_slice %arg4[%dma_wait3A_230] : memref<1048576xi32, #tpu.memory_space<hbm>> -> memref<1048576xi32, #tpu.memory_space<hbm>>
    tpu.wait_indirect_dma semaphore(%arg18 : memref<!tpu.dma_semaphore, #tpu.memory_space<semaphore_mem>>) src(%dma_wait3A_231 : memref<1048576xi32, #tpu.memory_space<hbm>>) dst(%dma_wait3A_227 : memref<128xi32, #tpu.memory_space<vmem>>)
    %dma_wait3A_232 = arith.constant 1792 : i32
    %dma_wait3A_233 = tpu.memref_slice %arg13[%dma_wait3A_232] : memref<2560xi32, #tpu.memory_space<vmem>> -> memref<128xi32, #tpu.memory_space<vmem>>
    %dma_wait3A_234 = arith.constant 1792 : i32
    %dma_wait3A_235 = tpu.memref_slice %arg12[%dma_wait3A_234] : memref<2560xi32, #tpu.memory_space<vmem>> -> memref<128xi32, #tpu.memory_space<vmem>>
    %dma_wait3A_236 = arith.constant 0 : i32
    %dma_wait3A_237 = tpu.memref_slice %arg4[%dma_wait3A_236] : memref<1048576xi32, #tpu.memory_space<hbm>> -> memref<1048576xi32, #tpu.memory_space<hbm>>
    tpu.wait_indirect_dma semaphore(%arg18 : memref<!tpu.dma_semaphore, #tpu.memory_space<semaphore_mem>>) src(%dma_wait3A_237 : memref<1048576xi32, #tpu.memory_space<hbm>>) dst(%dma_wait3A_233 : memref<128xi32, #tpu.memory_space<vmem>>)
    %dma_wait3A_238 = arith.constant 1920 : i32
    %dma_wait3A_239 = tpu.memref_slice %arg13[%dma_wait3A_238] : memref<2560xi32, #tpu.memory_space<vmem>> -> memref<128xi32, #tpu.memory_space<vmem>>
    %dma_wait3A_240 = arith.constant 1920 : i32
    %dma_wait3A_241 = tpu.memref_slice %arg12[%dma_wait3A_240] : memref<2560xi32, #tpu.memory_space<vmem>> -> memref<128xi32, #tpu.memory_space<vmem>>
    %dma_wait3A_242 = arith.constant 0 : i32
    %dma_wait3A_243 = tpu.memref_slice %arg4[%dma_wait3A_242] : memref<1048576xi32, #tpu.memory_space<hbm>> -> memref<1048576xi32, #tpu.memory_space<hbm>>
    tpu.wait_indirect_dma semaphore(%arg18 : memref<!tpu.dma_semaphore, #tpu.memory_space<semaphore_mem>>) src(%dma_wait3A_243 : memref<1048576xi32, #tpu.memory_space<hbm>>) dst(%dma_wait3A_239 : memref<128xi32, #tpu.memory_space<vmem>>)
    %dma_wait3A_244 = arith.constant 2048 : i32
    %dma_wait3A_245 = tpu.memref_slice %arg13[%dma_wait3A_244] : memref<2560xi32, #tpu.memory_space<vmem>> -> memref<128xi32, #tpu.memory_space<vmem>>
    %dma_wait3A_246 = arith.constant 2048 : i32
    %dma_wait3A_247 = tpu.memref_slice %arg12[%dma_wait3A_246] : memref<2560xi32, #tpu.memory_space<vmem>> -> memref<128xi32, #tpu.memory_space<vmem>>
    %dma_wait3A_248 = arith.constant 0 : i32
    %dma_wait3A_249 = tpu.memref_slice %arg4[%dma_wait3A_248] : memref<1048576xi32, #tpu.memory_space<hbm>> -> memref<1048576xi32, #tpu.memory_space<hbm>>
    tpu.wait_indirect_dma semaphore(%arg18 : memref<!tpu.dma_semaphore, #tpu.memory_space<semaphore_mem>>) src(%dma_wait3A_249 : memref<1048576xi32, #tpu.memory_space<hbm>>) dst(%dma_wait3A_245 : memref<128xi32, #tpu.memory_space<vmem>>)
    %dma_wait3A_250 = arith.constant 2176 : i32
    %dma_wait3A_251 = tpu.memref_slice %arg13[%dma_wait3A_250] : memref<2560xi32, #tpu.memory_space<vmem>> -> memref<128xi32, #tpu.memory_space<vmem>>
    %dma_wait3A_252 = arith.constant 2176 : i32
    %dma_wait3A_253 = tpu.memref_slice %arg12[%dma_wait3A_252] : memref<2560xi32, #tpu.memory_space<vmem>> -> memref<128xi32, #tpu.memory_space<vmem>>
    %dma_wait3A_254 = arith.constant 0 : i32
    %dma_wait3A_255 = tpu.memref_slice %arg4[%dma_wait3A_254] : memref<1048576xi32, #tpu.memory_space<hbm>> -> memref<1048576xi32, #tpu.memory_space<hbm>>
    tpu.wait_indirect_dma semaphore(%arg18 : memref<!tpu.dma_semaphore, #tpu.memory_space<semaphore_mem>>) src(%dma_wait3A_255 : memref<1048576xi32, #tpu.memory_space<hbm>>) dst(%dma_wait3A_251 : memref<128xi32, #tpu.memory_space<vmem>>)
    %dma_wait3A_256 = arith.constant 2304 : i32
    %dma_wait3A_257 = tpu.memref_slice %arg13[%dma_wait3A_256] : memref<2560xi32, #tpu.memory_space<vmem>> -> memref<128xi32, #tpu.memory_space<vmem>>
    %dma_wait3A_258 = arith.constant 2304 : i32
    %dma_wait3A_259 = tpu.memref_slice %arg12[%dma_wait3A_258] : memref<2560xi32, #tpu.memory_space<vmem>> -> memref<128xi32, #tpu.memory_space<vmem>>
    %dma_wait3A_260 = arith.constant 0 : i32
    %dma_wait3A_261 = tpu.memref_slice %arg4[%dma_wait3A_260] : memref<1048576xi32, #tpu.memory_space<hbm>> -> memref<1048576xi32, #tpu.memory_space<hbm>>
    tpu.wait_indirect_dma semaphore(%arg18 : memref<!tpu.dma_semaphore, #tpu.memory_space<semaphore_mem>>) src(%dma_wait3A_261 : memref<1048576xi32, #tpu.memory_space<hbm>>) dst(%dma_wait3A_257 : memref<128xi32, #tpu.memory_space<vmem>>)
    %dma_wait3A_262 = arith.constant 2432 : i32
    %dma_wait3A_263 = tpu.memref_slice %arg13[%dma_wait3A_262] : memref<2560xi32, #tpu.memory_space<vmem>> -> memref<128xi32, #tpu.memory_space<vmem>>
    %dma_wait3A_264 = arith.constant 2432 : i32
    %dma_wait3A_265 = tpu.memref_slice %arg12[%dma_wait3A_264] : memref<2560xi32, #tpu.memory_space<vmem>> -> memref<128xi32, #tpu.memory_space<vmem>>
    %dma_wait3A_266 = arith.constant 0 : i32
    %dma_wait3A_267 = tpu.memref_slice %arg4[%dma_wait3A_266] : memref<1048576xi32, #tpu.memory_space<hbm>> -> memref<1048576xi32, #tpu.memory_space<hbm>>
    tpu.wait_indirect_dma semaphore(%arg18 : memref<!tpu.dma_semaphore, #tpu.memory_space<semaphore_mem>>) src(%dma_wait3A_267 : memref<1048576xi32, #tpu.memory_space<hbm>>) dst(%dma_wait3A_263 : memref<128xi32, #tpu.memory_space<vmem>>)
    %jit3A_268 = arith.constant 8 : i32
    %eq3A = arith.constant 0 : i32
    %eq3A_269 = arith.cmpi eq, %jit3A_268, %eq3A : i32
    %jit3A_270 = arith.constant 1 : i32
    %select_n3A_271 = arith.select %eq3A_269, %jit3A_270, %jit3A_268 : i32
    %rem3A_272 = arith.remsi %add3A, %select_n3A_271 : i32
    %ne3A_273 = arith.constant 0 : i32
    %ne3A_274 = arith.cmpi ne, %rem3A_272, %ne3A_273 : i32
    %lt3A = arith.constant 0 : i32
    %lt3A_275 = arith.cmpi slt, %rem3A_272, %lt3A : i32
    %lt3A_276 = arith.constant 0 : i32
    %lt3A_277 = arith.cmpi slt, %select_n3A_271, %lt3A_276 : i32
    %ne3A_278 = arith.xori %lt3A_275, %lt3A_277 : i1
    %and3A_279 = arith.andi %ne3A_278, %ne3A_274 : i1
    %add3A_280 = arith.addi %rem3A_272, %select_n3A_271 : i32
    %select_n3A_281 = arith.select %and3A_279, %add3A_280, %rem3A_272 : i32
    %eq3A_282 = arith.constant 7 : i32
    %eq3A_283 = arith.cmpi eq, %select_n3A_281, %eq3A_282 : i32
    %convert_element_type3A = arith.extui %eq3A_283 : i1 to i32
    %cond3A = arith.constant 0 : i32
    %cond3A_284 = arith.cmpi ne, %convert_element_type3A, %cond3A : i32
    scf.if %cond3A_284 {
      %scan3A_291 = arith.constant 0 : i32
      %scan3A_292 = arith.constant 0 : i32
      %scan3A_293 = arith.constant 30 : i32
      %scan3A_294 = arith.addi %scan3A_292, %scan3A_293 : i32
      %scan3A_295 = arith.constant 1 : i32
      scf.for %scan3A_297 = %scan3A_292 to %scan3A_294 step %scan3A_295  : i32 {
        %broadcast_in_dim3A = arith.constant 0 : i32
        %broadcast_in_dim3A_298 = vector.broadcast %broadcast_in_dim3A : i32 to vector<16xi32>
        %mul3A_299 = arith.constant 16 : i32
        %mul3A_300 = arith.muli %scan3A_297, %mul3A_299 : i32
        %add3A_301 = arith.constant 2080 : i32
        %add3A_302 = arith.addi %add3A_301, %mul3A_300 : i32
        %swap3A = arith.index_cast %add3A_302 : i32 to index
        %swap3A_303 = tpu.vector_load %arg13[%swap3A] {strides = array<i32>} : memref<2560xi32, #tpu.memory_space<vmem>>, vector<16xi32>,
        tpu.vector_store %arg13[%swap3A], %broadcast_in_dim3A_298 {strides = array<i32>} : memref<2560xi32, #tpu.memory_space<vmem>>, vector<16xi32>,
      }
      %scan3A_296 = arith.constant 30 : i32
    } else {
    }
    %scan3A_285 = arith.constant 0 : i32
    %scan3A_286 = arith.constant 0 : i32
    %scan3A_287 = arith.constant 160 : i32
    %scan3A_288 = arith.addi %scan3A_286, %scan3A_287 : i32
    %scan3A_289 = arith.constant 1 : i32
    scf.for %scan3A_291 = %scan3A_286 to %scan3A_288 step %scan3A_289  : i32 {
      %mul3A_292 = arith.constant 16 : i32
      %mul3A_293 = arith.muli %scan3A_291, %mul3A_292 : i32
      %get3A = arith.index_cast %mul3A_293 : i32 to index
      %get3A_294 = tpu.vector_load %arg13[%get3A] {strides = array<i32>} : memref<2560xi32, #tpu.memory_space<vmem>>, vector<16xi32>,
      %sub3A_295 = arith.constant 1 : i32
      %sub3A_296 = vector.broadcast %sub3A_295 : i32 to vector<16xi32>
      %sub3A_297 = arith.subi %get3A_294, %sub3A_296 : vector<16xi32>
      %max3A = arith.constant 0 : i32
      %max3A_298 = vector.broadcast %max3A : i32 to vector<16xi32>
      %max3A_299 = arith.maxsi %sub3A_297, %max3A_298 : vector<16xi32>
      %gather3A = tpu.vector_load_idx %arg14[%max3A_299] : memref<200xf32, #tpu.memory_space<vmem>>[vector<16xi32>], vector<16xf32>,
      %mul3A_300 = arith.constant 16 : i32
      %mul3A_301 = arith.muli %scan3A_291, %mul3A_300 : i32
      %swap3A = arith.index_cast %mul3A_301 : i32 to index
      %swap3A_302 = tpu.vector_load %arg16[%swap3A] {strides = array<i32>} : memref<2560xf32, #tpu.memory_space<vmem>>, vector<16xf32>,
      tpu.vector_store %arg16[%swap3A], %gather3A {strides = array<i32>} : memref<2560xf32, #tpu.memory_space<vmem>>, vector<16xf32>,
      %gather3A_303 = tpu.vector_load_idx %arg15[%max3A_299] : memref<200xf32, #tpu.memory_space<vmem>>[vector<16xi32>], vector<16xf32>,
      %mul3A_304 = arith.constant 16 : i32
      %mul3A_305 = arith.muli %scan3A_291, %mul3A_304 : i32
      %swap3A_306 = arith.index_cast %mul3A_305 : i32 to index
      %swap3A_307 = tpu.vector_load %arg17[%swap3A_306] {strides = array<i32>} : memref<2560xf32, #tpu.memory_space<vmem>>, vector<16xf32>,
      tpu.vector_store %arg17[%swap3A_306], %gather3A_303 {strides = array<i32>} : memref<2560xf32, #tpu.memory_space<vmem>>, vector<16xf32>,
    }
    %scan3A_290 = arith.constant 160 : i32
    "tpu.region"() ({
      %run_scoped3A = tpu.sem_alloc : memref<!tpu.dma_semaphore, #tpu.memory_space<semaphore_mem>>
      %dma_start3A_291 = tpu.memref_slice %arg7[%mul3A_2] : memref<81920xi32, #tpu.memory_space<hbm>> -> memref<2560xi32, #tpu.memory_space<hbm>>
      %dma_start3A_292 = tpu.memref_slice %arg7[%mul3A_2] : memref<81920xi32, #tpu.memory_space<hbm>> -> memref<2560xi32, #tpu.memory_space<hbm>>
      tpu.enqueue_dma source(%arg13 : memref<2560xi32, #tpu.memory_space<vmem>>) target(%dma_start3A_292 : memref<2560xi32, #tpu.memory_space<hbm>>) target_semaphore(%run_scoped3A : memref<!tpu.dma_semaphore, #tpu.memory_space<semaphore_mem>>)
      %dma_wait3A_293 = tpu.memref_slice %arg7[%mul3A_2] : memref<81920xi32, #tpu.memory_space<hbm>> -> memref<2560xi32, #tpu.memory_space<hbm>>
      %dma_wait3A_294 = tpu.memref_slice %arg7[%mul3A_2] : memref<81920xi32, #tpu.memory_space<hbm>> -> memref<2560xi32, #tpu.memory_space<hbm>>
      tpu.wait_dma2 semaphore(%run_scoped3A : memref<!tpu.dma_semaphore, #tpu.memory_space<semaphore_mem>>) src(%arg13 : memref<2560xi32, #tpu.memory_space<vmem>>) dst(%dma_wait3A_294 : memref<2560xi32, #tpu.memory_space<hbm>>)
      tpu.yield
    }) : () -> ()
    "tpu.region"() ({
      %run_scoped3A = tpu.sem_alloc : memref<!tpu.dma_semaphore, #tpu.memory_space<semaphore_mem>>
      %dma_start3A_291 = tpu.memref_slice %arg8[%mul3A_2] : memref<81920xf32, #tpu.memory_space<hbm>> -> memref<2560xf32, #tpu.memory_space<hbm>>
      %dma_start3A_292 = tpu.memref_slice %arg8[%mul3A_2] : memref<81920xf32, #tpu.memory_space<hbm>> -> memref<2560xf32, #tpu.memory_space<hbm>>
      tpu.enqueue_dma source(%arg16 : memref<2560xf32, #tpu.memory_space<vmem>>) target(%dma_start3A_292 : memref<2560xf32, #tpu.memory_space<hbm>>) target_semaphore(%run_scoped3A : memref<!tpu.dma_semaphore, #tpu.memory_space<semaphore_mem>>)
      %dma_wait3A_293 = tpu.memref_slice %arg8[%mul3A_2] : memref<81920xf32, #tpu.memory_space<hbm>> -> memref<2560xf32, #tpu.memory_space<hbm>>
      %dma_wait3A_294 = tpu.memref_slice %arg8[%mul3A_2] : memref<81920xf32, #tpu.memory_space<hbm>> -> memref<2560xf32, #tpu.memory_space<hbm>>
      tpu.wait_dma2 semaphore(%run_scoped3A : memref<!tpu.dma_semaphore, #tpu.memory_space<semaphore_mem>>) src(%arg16 : memref<2560xf32, #tpu.memory_space<vmem>>) dst(%dma_wait3A_294 : memref<2560xf32, #tpu.memory_space<hbm>>)
      tpu.yield
    }) : () -> ()
    "tpu.region"() ({
      %run_scoped3A = tpu.sem_alloc : memref<!tpu.dma_semaphore, #tpu.memory_space<semaphore_mem>>
      %dma_start3A_291 = tpu.memref_slice %arg9[%mul3A_2] : memref<81920xf32, #tpu.memory_space<hbm>> -> memref<2560xf32, #tpu.memory_space<hbm>>
      %dma_start3A_292 = tpu.memref_slice %arg9[%mul3A_2] : memref<81920xf32, #tpu.memory_space<hbm>> -> memref<2560xf32, #tpu.memory_space<hbm>>
      tpu.enqueue_dma source(%arg17 : memref<2560xf32, #tpu.memory_space<vmem>>) target(%dma_start3A_292 : memref<2560xf32, #tpu.memory_space<hbm>>) target_semaphore(%run_scoped3A : memref<!tpu.dma_semaphore, #tpu.memory_space<semaphore_mem>>)
      %dma_wait3A_293 = tpu.memref_slice %arg9[%mul3A_2] : memref<81920xf32, #tpu.memory_space<hbm>> -> memref<2560xf32, #tpu.memory_space<hbm>>
      %dma_wait3A_294 = tpu.memref_slice %arg9[%mul3A_2] : memref<81920xf32, #tpu.memory_space<hbm>> -> memref<2560xf32, #tpu.memory_space<hbm>>
      tpu.wait_dma2 semaphore(%run_scoped3A : memref<!tpu.dma_semaphore, #tpu.memory_space<semaphore_mem>>) src(%arg17 : memref<2560xf32, #tpu.memory_space<vmem>>) dst(%dma_wait3A_294 : memref<2560xf32, #tpu.memory_space<hbm>>)
      tpu.yield
    }) : () -> ()
    return
  }
}

module attributes {stable_mosaic.version = 14 : i64} {
  func.func @_tc_inside_kernel(%arg0: i32, %arg1: i32, %arg2: memref<1x2x10240xf32, #tpu.memory_space<vmem>>, %arg3: memref<1x1x10240xi32, #tpu.memory_space<vmem>>, %arg4: memref<1x1x10240xf32, #tpu.memory_space<vmem>>, %arg5: memref<1x1x10240xf32, #tpu.memory_space<vmem>>, %arg6: memref<1x200x1xf32, #tpu.memory_space<vmem>>, %arg7: memref<1x200x1xf32, #tpu.memory_space<vmem>>, %arg8: memref<1x200x1xi32, #tpu.memory_space<vmem>>, %arg9: memref<1x1x1xf32, #tpu.memory_space<vmem>>) attributes {dimension_semantics = [#tpu.dimension_semantics<arbitrary>, #tpu.dimension_semantics<arbitrary>], iteration_bounds = array<i64: 4, 2>, scalar_prefetch = 0 : i64, scratch_operands = 0 : i64, tpu.core_type = #tpu.core_type<tc>, window_params = [{transform_indices = @transform_0, window_bounds = array<i64: 1, 2, 10240>}, {transform_indices = @transform_1, window_bounds = array<i64: 1, 1, 10240>}, {transform_indices = @transform_2, window_bounds = array<i64: 1, 1, 10240>}, {transform_indices = @transform_3, window_bounds = array<i64: 1, 1, 10240>}, {transform_indices = @transform_4, window_bounds = array<i64: 1, 200, 1>}, {transform_indices = @transform_5, window_bounds = array<i64: 1, 200, 1>}, {transform_indices = @transform_6, window_bounds = array<i64: 1, 200, 1>}, {transform_indices = @transform_7, window_bounds = array<i64: 1, 1, 1>}]} {
    %eq3A = arith.constant 0 : i32
    %eq3A_0 = arith.cmpi eq, %arg1, %eq3A : i32
    %convert_element_type3A = arith.extui %eq3A_0 : i1 to i32
    %cond3A = arith.constant 0x7F800000 : f32
    %cond3A_1 = arith.constant 0 : i32
    %cond3A_2 = arith.cmpi ne, %convert_element_type3A, %cond3A_1 : i32
    scf.if %cond3A_2 {
      %broadcast_in_dim3A_87 = vector.broadcast %cond3A : f32 to vector<200x1xf32>
      %swap3A_88 = arith.constant 0 : index
      %swap3A_89 = arith.constant 0 : index
      %swap3A_90 = arith.constant 0 : index
      %swap3A_91 = vector.load %arg6[%swap3A_88, %swap3A_89, %swap3A_90] : memref<1x200x1xf32, #tpu.memory_space<vmem>>, vector<1x200x1xf32>
      %swap3A_92 = vector.shape_cast %swap3A_91 : vector<1x200x1xf32> to vector<200x1xf32>
      %swap3A_93 = vector.shape_cast %broadcast_in_dim3A_87 : vector<200x1xf32> to vector<1x200x1xf32>
      tpu.vector_store %arg6[%swap3A_88, %swap3A_89, %swap3A_90], %swap3A_93 {strides = array<i32>} : memref<1x200x1xf32, #tpu.memory_space<vmem>>, vector<1x200x1xf32>,
      %broadcast_in_dim3A_94 = arith.constant 0.000000e+00 : f32
      %broadcast_in_dim3A_95 = vector.broadcast %broadcast_in_dim3A_94 : f32 to vector<200x1xf32>
      %swap3A_96 = arith.constant 0 : index
      %swap3A_97 = arith.constant 0 : index
      %swap3A_98 = arith.constant 0 : index
      %swap3A_99 = vector.load %arg7[%swap3A_96, %swap3A_97, %swap3A_98] : memref<1x200x1xf32, #tpu.memory_space<vmem>>, vector<1x200x1xf32>
      %swap3A_100 = vector.shape_cast %swap3A_99 : vector<1x200x1xf32> to vector<200x1xf32>
      %swap3A_101 = vector.shape_cast %broadcast_in_dim3A_95 : vector<200x1xf32> to vector<1x200x1xf32>
      tpu.vector_store %arg7[%swap3A_96, %swap3A_97, %swap3A_98], %swap3A_101 {strides = array<i32>} : memref<1x200x1xf32, #tpu.memory_space<vmem>>, vector<1x200x1xf32>,
    } else {
    }
    %get3A = arith.constant 0 : index
    %get3A_3 = arith.constant 0 : index
    %get3A_4 = arith.constant 0 : index
    %get3A_5 = vector.load %arg2[%get3A, %get3A_3, %get3A_4] : memref<1x2x10240xf32, #tpu.memory_space<vmem>>, vector<1x1x10240xf32>
    %get3A_6 = vector.shape_cast %get3A_5 : vector<1x1x10240xf32> to vector<1x10240xf32>
    %get3A_7 = arith.constant 0 : index
    %get3A_8 = arith.constant 1 : index
    %get3A_9 = arith.constant 0 : index
    %get3A_10 = vector.load %arg2[%get3A_7, %get3A_8, %get3A_9] : memref<1x2x10240xf32, #tpu.memory_space<vmem>>, vector<1x1x10240xf32>
    %get3A_11 = vector.shape_cast %get3A_10 : vector<1x1x10240xf32> to vector<1x10240xf32>
    %get3A_12 = arith.constant 0 : index
    %get3A_13 = arith.constant 0 : index
    %get3A_14 = arith.constant 0 : index
    %get3A_15 = vector.load %arg4[%get3A_12, %get3A_13, %get3A_14] : memref<1x1x10240xf32, #tpu.memory_space<vmem>>, vector<1x1x10240xf32>
    %get3A_16 = vector.shape_cast %get3A_15 : vector<1x1x10240xf32> to vector<1x10240xf32>
    %get3A_17 = arith.constant 0 : index
    %get3A_18 = arith.constant 0 : index
    %get3A_19 = arith.constant 0 : index
    %get3A_20 = vector.load %arg5[%get3A_17, %get3A_18, %get3A_19] : memref<1x1x10240xf32, #tpu.memory_space<vmem>>, vector<1x1x10240xf32>
    %get3A_21 = vector.shape_cast %get3A_20 : vector<1x1x10240xf32> to vector<1x10240xf32>
    %sub3A = arith.subf %get3A_6, %get3A_16 : vector<1x10240xf32>
    %sub3A_22 = arith.subf %get3A_11, %get3A_21 : vector<1x10240xf32>
    %mul3A = arith.mulf %sub3A, %sub3A : vector<1x10240xf32>
    %mul3A_23 = arith.mulf %sub3A_22, %sub3A_22 : vector<1x10240xf32>
    %add3A = arith.addf %mul3A, %mul3A_23 : vector<1x10240xf32>
    %add3A_24 = arith.constant 9.99999996E-13 : f32
    %add3A_25 = vector.broadcast %add3A_24 : f32 to vector<1x10240xf32>
    %add3A_26 = arith.addf %add3A, %add3A_25 : vector<1x10240xf32>
    %sqrt3A = math.sqrt %add3A_26 : vector<1x10240xf32>
    %get3A_27 = arith.constant 0 : index
    %get3A_28 = arith.constant 0 : index
    %get3A_29 = arith.constant 0 : index
    %get3A_30 = vector.load %arg3[%get3A_27, %get3A_28, %get3A_29] : memref<1x1x10240xi32, #tpu.memory_space<vmem>>, vector<1x1x10240xi32>
    %get3A_31 = vector.shape_cast %get3A_30 : vector<1x1x10240xi32> to vector<1x10240xi32>
    %iota3A = tpu.iota {dimensions = array<i32: 0>} : vector<200x1xi32>
    %add3A_32 = arith.constant 1 : i32
    %add3A_33 = vector.broadcast %add3A_32 : i32 to vector<200x1xi32>
    %add3A_34 = arith.addi %iota3A, %add3A_33 : vector<200x1xi32>
    %eq3A_35 = vector.broadcast %get3A_31 : vector<1x10240xi32> to vector<200x10240xi32>
    %eq3A_36 = vector.broadcast %add3A_34 : vector<200x1xi32> to vector<200x10240xi32>
    %eq3A_37 = arith.cmpi eq, %eq3A_35, %eq3A_36 : vector<200x10240xi32>
    %broadcast_in_dim3A = vector.shape_cast %sqrt3A : vector<1x10240xf32> to vector<1x10240xf32>
    %broadcast_in_dim3A_38 = vector.broadcast %broadcast_in_dim3A : vector<1x10240xf32> to vector<200x10240xf32>
    %jit3A = arith.constant 0x7F800000 : f32
    %broadcast_in_dim3A_39 = vector.broadcast %jit3A : f32 to vector<200x10240xf32>
    %select_n3A = arith.select %eq3A_37, %broadcast_in_dim3A_38, %broadcast_in_dim3A_39 : vector<200x10240xi1>, vector<200x10240xf32>
    %mul3A_40 = arith.constant 10240 : i32
    %mul3A_41 = arith.muli %arg1, %mul3A_40 : i32
    %convert_element_type3A_42 = arith.sitofp %mul3A_41 : i32 to f32
    %iota3A_43 = tpu.iota {dimensions = array<i32: 1>} : vector<1x10240xi32>
    %convert_element_type3A_44 = arith.sitofp %iota3A_43 : vector<1x10240xi32> to vector<1x10240xf32>
    %add3A_45 = vector.broadcast %convert_element_type3A_42 : f32 to vector<1x10240xf32>
    %add3A_46 = arith.addf %add3A_45, %convert_element_type3A_44 : vector<1x10240xf32>
    %broadcast_in_dim3A_47 = vector.shape_cast %add3A_46 : vector<1x10240xf32> to vector<1x10240xf32>
    %broadcast_in_dim3A_48 = vector.broadcast %broadcast_in_dim3A_47 : vector<1x10240xf32> to vector<200x10240xf32>
    %reduce_min3A = arith.constant dense<0x7F800000> : vector<200xf32>
    %reduce_min3A_49 = vector.multi_reduction <minimumf>, %select_n3A, %reduce_min3A [1] : vector<200x10240xf32> to vector<200xf32>
    %broadcast_in_dim3A_50 = vector.shape_cast %reduce_min3A_49 : vector<200xf32> to vector<200x1xf32>
    %bitcast_convert_type3A = tpu.bitcast %select_n3A : vector<200x10240xf32> -> vector<200x10240xi32>
    %bitcast_convert_type3A_51 = tpu.bitcast %broadcast_in_dim3A_50 : vector<200x1xf32> -> vector<200x1xi32>
    %eq3A_52 = vector.broadcast %bitcast_convert_type3A_51 : vector<200x1xi32> to vector<200x10240xi32>
    %eq3A_53 = arith.cmpi eq, %bitcast_convert_type3A, %eq3A_52 : vector<200x10240xi32>
    %jit3A_54 = arith.constant 1.000000e+09 : f32
    %broadcast_in_dim3A_55 = vector.broadcast %jit3A_54 : f32 to vector<200x10240xf32>
    %select_n3A_56 = arith.select %eq3A_53, %broadcast_in_dim3A_48, %broadcast_in_dim3A_55 : vector<200x10240xi1>, vector<200x10240xf32>
    %reduce_min3A_57 = arith.constant dense<0x7F800000> : vector<200xf32>
    %reduce_min3A_58 = vector.multi_reduction <minimumf>, %select_n3A_56, %reduce_min3A_57 [1] : vector<200x10240xf32> to vector<200xf32>
    %broadcast_in_dim3A_59 = vector.shape_cast %reduce_min3A_58 : vector<200xf32> to vector<200x1xf32>
    %get3A_60 = arith.constant 0 : index
    %get3A_61 = arith.constant 0 : index
    %get3A_62 = arith.constant 0 : index
    %get3A_63 = vector.load %arg6[%get3A_60, %get3A_61, %get3A_62] : memref<1x200x1xf32, #tpu.memory_space<vmem>>, vector<1x200x1xf32>
    %get3A_64 = vector.shape_cast %get3A_63 : vector<1x200x1xf32> to vector<200x1xf32>
    %lt3A = arith.cmpf olt, %broadcast_in_dim3A_50, %get3A_64 : vector<200x1xf32>
    %get3A_65 = arith.constant 0 : index
    %get3A_66 = arith.constant 0 : index
    %get3A_67 = arith.constant 0 : index
    %get3A_68 = vector.load %arg7[%get3A_65, %get3A_66, %get3A_67] : memref<1x200x1xf32, #tpu.memory_space<vmem>>, vector<1x200x1xf32>
    %get3A_69 = vector.shape_cast %get3A_68 : vector<1x200x1xf32> to vector<200x1xf32>
    %select_n3A_70 = arith.select %lt3A, %broadcast_in_dim3A_59, %get3A_69 : vector<200x1xi1>, vector<200x1xf32>
    %swap3A = arith.constant 0 : index
    %swap3A_71 = arith.constant 0 : index
    %swap3A_72 = arith.constant 0 : index
    %swap3A_73 = vector.load %arg7[%swap3A, %swap3A_71, %swap3A_72] : memref<1x200x1xf32, #tpu.memory_space<vmem>>, vector<1x200x1xf32>
    %swap3A_74 = vector.shape_cast %swap3A_73 : vector<1x200x1xf32> to vector<200x1xf32>
    %swap3A_75 = vector.shape_cast %select_n3A_70 : vector<200x1xf32> to vector<1x200x1xf32>
    tpu.vector_store %arg7[%swap3A, %swap3A_71, %swap3A_72], %swap3A_75 {strides = array<i32>} : memref<1x200x1xf32, #tpu.memory_space<vmem>>, vector<1x200x1xf32>,
    %min3A = arith.minimumf %broadcast_in_dim3A_50, %get3A_64 : vector<200x1xf32>
    %swap3A_76 = arith.constant 0 : index
    %swap3A_77 = arith.constant 0 : index
    %swap3A_78 = arith.constant 0 : index
    %swap3A_79 = vector.load %arg6[%swap3A_76, %swap3A_77, %swap3A_78] : memref<1x200x1xf32, #tpu.memory_space<vmem>>, vector<1x200x1xf32>
    %swap3A_80 = vector.shape_cast %swap3A_79 : vector<1x200x1xf32> to vector<200x1xf32>
    %swap3A_81 = vector.shape_cast %min3A : vector<200x1xf32> to vector<1x200x1xf32>
    tpu.vector_store %arg6[%swap3A_76, %swap3A_77, %swap3A_78], %swap3A_81 {strides = array<i32>} : memref<1x200x1xf32, #tpu.memory_space<vmem>>, vector<1x200x1xf32>,
    %eq3A_82 = arith.constant 1 : i32
    %eq3A_83 = arith.cmpi eq, %arg1, %eq3A_82 : i32
    %convert_element_type3A_84 = arith.extui %eq3A_83 : i1 to i32
    %cond3A_85 = arith.constant 0 : i32
    %cond3A_86 = arith.cmpi ne, %convert_element_type3A_84, %cond3A_85 : i32
    scf.if %cond3A_86 {
      %get3A_87 = arith.constant 0 : index
      %get3A_88 = arith.constant 0 : index
      %get3A_89 = arith.constant 0 : index
      %get3A_90 = vector.load %arg7[%get3A_87, %get3A_88, %get3A_89] : memref<1x200x1xf32, #tpu.memory_space<vmem>>, vector<1x200x1xf32>
      %get3A_91 = vector.shape_cast %get3A_90 : vector<1x200x1xf32> to vector<200x1xf32>
      %convert_element_type3A_92 = arith.fptosi %get3A_91 : vector<200x1xf32> to vector<200x1xi32>
      %swap3A_93 = arith.constant 0 : index
      %swap3A_94 = arith.constant 0 : index
      %swap3A_95 = arith.constant 0 : index
      %swap3A_96 = vector.load %arg8[%swap3A_93, %swap3A_94, %swap3A_95] : memref<1x200x1xi32, #tpu.memory_space<vmem>>, vector<1x200x1xi32>
      %swap3A_97 = vector.shape_cast %swap3A_96 : vector<1x200x1xi32> to vector<200x1xi32>
      %swap3A_98 = vector.shape_cast %convert_element_type3A_92 : vector<200x1xi32> to vector<1x200x1xi32>
      tpu.vector_store %arg8[%swap3A_93, %swap3A_94, %swap3A_95], %swap3A_98 {strides = array<i32>} : memref<1x200x1xi32, #tpu.memory_space<vmem>>, vector<1x200x1xi32>,
      %get3A_99 = arith.constant 0 : index
      %get3A_100 = arith.constant 0 : index
      %get3A_101 = arith.constant 0 : index
      %get3A_102 = vector.load %arg6[%get3A_99, %get3A_100, %get3A_101] : memref<1x200x1xf32, #tpu.memory_space<vmem>>, vector<1x200x1xf32>
      %get3A_103 = vector.shape_cast %get3A_102 : vector<1x200x1xf32> to vector<200x1xf32>
      %reduce_sum3A = arith.constant dense<0.000000e+00> : vector<1xf32>
      %reduce_sum3A_104 = vector.multi_reduction <add>, %get3A_103, %reduce_sum3A [0] : vector<200x1xf32> to vector<1xf32>
      %broadcast_in_dim3A_105 = vector.shape_cast %reduce_sum3A_104 : vector<1xf32> to vector<1x1xf32>
      %swap3A_106 = arith.constant 0 : index
      %swap3A_107 = arith.constant 0 : index
      %swap3A_108 = arith.constant 0 : index
      %swap3A_109 = vector.load %arg9[%swap3A_106, %swap3A_107, %swap3A_108] : memref<1x1x1xf32, #tpu.memory_space<vmem>>, vector<1x1x1xf32>
      %swap3A_110 = vector.shape_cast %swap3A_109 : vector<1x1x1xf32> to vector<1x1xf32>
      %swap3A_111 = vector.shape_cast %broadcast_in_dim3A_105 : vector<1x1xf32> to vector<1x1x1xf32>
      tpu.vector_store %arg9[%swap3A_106, %swap3A_107, %swap3A_108], %swap3A_111 {strides = array<i32>} : memref<1x1x1xf32, #tpu.memory_space<vmem>>, vector<1x1x1xf32>,
    } else {
    }
    return
  }
  func.func @transform_0(%arg0: i32, %arg1: i32) -> (i32, i32, i32) {
    %c0_i32 = arith.constant 0 : i32
    %c0_i32_0 = arith.constant 0 : i32
    return %arg0, %c0_i32, %arg1 : i32, i32, i32
  }
  func.func @transform_1(%arg0: i32, %arg1: i32) -> (i32, i32, i32) {
    %c0_i32 = arith.constant 0 : i32
    %c0_i32_0 = arith.constant 0 : i32
    return %arg0, %c0_i32, %arg1 : i32, i32, i32
  }
  func.func @transform_2(%arg0: i32, %arg1: i32) -> (i32, i32, i32) {
    %c0_i32 = arith.constant 0 : i32
    %c0_i32_0 = arith.constant 0 : i32
    return %arg0, %c0_i32, %arg1 : i32, i32, i32
  }
  func.func @transform_3(%arg0: i32, %arg1: i32) -> (i32, i32, i32) {
    %c0_i32 = arith.constant 0 : i32
    %c0_i32_0 = arith.constant 0 : i32
    return %arg0, %c0_i32, %arg1 : i32, i32, i32
  }
  func.func @transform_4(%arg0: i32, %arg1: i32) -> (i32, i32, i32) {
    %c0_i32 = arith.constant 0 : i32
    %c0_i32_0 = arith.constant 0 : i32
    %c0_i32_1 = arith.constant 0 : i32
    return %arg0, %c0_i32, %c0_i32_0 : i32, i32, i32
  }
  func.func @transform_5(%arg0: i32, %arg1: i32) -> (i32, i32, i32) {
    %c0_i32 = arith.constant 0 : i32
    %c0_i32_0 = arith.constant 0 : i32
    %c0_i32_1 = arith.constant 0 : i32
    return %arg0, %c0_i32, %c0_i32_0 : i32, i32, i32
  }
  func.func @transform_6(%arg0: i32, %arg1: i32) -> (i32, i32, i32) {
    %c0_i32 = arith.constant 0 : i32
    %c0_i32_0 = arith.constant 0 : i32
    %c0_i32_1 = arith.constant 0 : i32
    return %arg0, %c0_i32, %c0_i32_0 : i32, i32, i32
  }
  func.func @transform_7(%arg0: i32, %arg1: i32) -> (i32, i32, i32) {
    %c0_i32 = arith.constant 0 : i32
    %c0_i32_0 = arith.constant 0 : i32
    %c0_i32_1 = arith.constant 0 : i32
    return %arg0, %c0_i32, %c0_i32_0 : i32, i32, i32
  }
}

module attributes {stable_mosaic.version = 14 : i64} {
  func.func @_tc_global_kernel(%arg0: i32, %arg1: i32, %arg2: memref<1x2x10240xf32, #tpu.memory_space<vmem>>, %arg3: memref<1x200x2xf32, #tpu.memory_space<vmem>>, %arg4: memref<1x200x1xf32, #tpu.memory_space<vmem>>, %arg5: memref<1x200x1xf32, #tpu.memory_space<vmem>>) attributes {dimension_semantics = [#tpu.dimension_semantics<arbitrary>, #tpu.dimension_semantics<arbitrary>], iteration_bounds = array<i64: 4, 2>, scalar_prefetch = 0 : i64, scratch_operands = 0 : i64, tpu.core_type = #tpu.core_type<tc>, window_params = [{transform_indices = @transform_0, window_bounds = array<i64: 1, 2, 10240>}, {transform_indices = @transform_1, window_bounds = array<i64: 1, 200, 2>}, {transform_indices = @transform_2, window_bounds = array<i64: 1, 200, 1>}, {transform_indices = @transform_3, window_bounds = array<i64: 1, 200, 1>}]} {
    %eq3A = arith.constant 0 : i32
    %eq3A_0 = arith.cmpi eq, %arg1, %eq3A : i32
    %convert_element_type3A = arith.extui %eq3A_0 : i1 to i32
    %cond3A = arith.constant 0x7F800000 : f32
    %cond3A_1 = arith.constant 0 : i32
    %cond3A_2 = arith.cmpi ne, %convert_element_type3A, %cond3A_1 : i32
    scf.if %cond3A_2 {
      %broadcast_in_dim3A_69 = vector.broadcast %cond3A : f32 to vector<200x1xf32>
      %swap3A_70 = arith.constant 0 : index
      %swap3A_71 = arith.constant 0 : index
      %swap3A_72 = arith.constant 0 : index
      %swap3A_73 = vector.load %arg4[%swap3A_70, %swap3A_71, %swap3A_72] : memref<1x200x1xf32, #tpu.memory_space<vmem>>, vector<1x200x1xf32>
      %swap3A_74 = vector.shape_cast %swap3A_73 : vector<1x200x1xf32> to vector<200x1xf32>
      %swap3A_75 = vector.shape_cast %broadcast_in_dim3A_69 : vector<200x1xf32> to vector<1x200x1xf32>
      tpu.vector_store %arg4[%swap3A_70, %swap3A_71, %swap3A_72], %swap3A_75 {strides = array<i32>} : memref<1x200x1xf32, #tpu.memory_space<vmem>>, vector<1x200x1xf32>,
      %broadcast_in_dim3A_76 = arith.constant 0.000000e+00 : f32
      %broadcast_in_dim3A_77 = vector.broadcast %broadcast_in_dim3A_76 : f32 to vector<200x1xf32>
      %swap3A_78 = arith.constant 0 : index
      %swap3A_79 = arith.constant 0 : index
      %swap3A_80 = arith.constant 0 : index
      %swap3A_81 = vector.load %arg5[%swap3A_78, %swap3A_79, %swap3A_80] : memref<1x200x1xf32, #tpu.memory_space<vmem>>, vector<1x200x1xf32>
      %swap3A_82 = vector.shape_cast %swap3A_81 : vector<1x200x1xf32> to vector<200x1xf32>
      %swap3A_83 = vector.shape_cast %broadcast_in_dim3A_77 : vector<200x1xf32> to vector<1x200x1xf32>
      tpu.vector_store %arg5[%swap3A_78, %swap3A_79, %swap3A_80], %swap3A_83 {strides = array<i32>} : memref<1x200x1xf32, #tpu.memory_space<vmem>>, vector<1x200x1xf32>,
    } else {
    }
    %get3A = arith.constant 0 : index
    %get3A_3 = arith.constant 0 : index
    %get3A_4 = arith.constant 0 : index
    %get3A_5 = vector.load %arg2[%get3A, %get3A_3, %get3A_4] : memref<1x2x10240xf32, #tpu.memory_space<vmem>>, vector<1x1x10240xf32>
    %get3A_6 = vector.shape_cast %get3A_5 : vector<1x1x10240xf32> to vector<1x10240xf32>
    %get3A_7 = arith.constant 0 : index
    %get3A_8 = arith.constant 1 : index
    %get3A_9 = arith.constant 0 : index
    %get3A_10 = vector.load %arg2[%get3A_7, %get3A_8, %get3A_9] : memref<1x2x10240xf32, #tpu.memory_space<vmem>>, vector<1x1x10240xf32>
    %get3A_11 = vector.shape_cast %get3A_10 : vector<1x1x10240xf32> to vector<1x10240xf32>
    %get3A_12 = arith.constant 0 : index
    %get3A_13 = arith.constant 0 : index
    %get3A_14 = arith.constant 0 : index
    %get3A_15 = vector.load %arg3[%get3A_12, %get3A_13, %get3A_14] : memref<1x200x2xf32, #tpu.memory_space<vmem>>, vector<1x200x1xf32>
    %get3A_16 = vector.shape_cast %get3A_15 : vector<1x200x1xf32> to vector<200x1xf32>
    %get3A_17 = arith.constant 0 : index
    %get3A_18 = arith.constant 0 : index
    %get3A_19 = arith.constant 1 : index
    %get3A_20 = vector.load %arg3[%get3A_17, %get3A_18, %get3A_19] : memref<1x200x2xf32, #tpu.memory_space<vmem>>, vector<1x200x1xf32>
    %get3A_21 = vector.shape_cast %get3A_20 : vector<1x200x1xf32> to vector<200x1xf32>
    %sub3A = vector.broadcast %get3A_6 : vector<1x10240xf32> to vector<200x10240xf32>
    %sub3A_22 = vector.broadcast %get3A_16 : vector<200x1xf32> to vector<200x10240xf32>
    %sub3A_23 = arith.subf %sub3A, %sub3A_22 : vector<200x10240xf32>
    %sub3A_24 = vector.broadcast %get3A_11 : vector<1x10240xf32> to vector<200x10240xf32>
    %sub3A_25 = vector.broadcast %get3A_21 : vector<200x1xf32> to vector<200x10240xf32>
    %sub3A_26 = arith.subf %sub3A_24, %sub3A_25 : vector<200x10240xf32>
    %mul3A = arith.mulf %sub3A_23, %sub3A_23 : vector<200x10240xf32>
    %mul3A_27 = arith.mulf %sub3A_26, %sub3A_26 : vector<200x10240xf32>
    %add3A = arith.addf %mul3A, %mul3A_27 : vector<200x10240xf32>
    %add3A_28 = arith.constant 9.99999996E-13 : f32
    %add3A_29 = vector.broadcast %add3A_28 : f32 to vector<200x10240xf32>
    %add3A_30 = arith.addf %add3A, %add3A_29 : vector<200x10240xf32>
    %sqrt3A = math.sqrt %add3A_30 : vector<200x10240xf32>
    %mul3A_31 = arith.constant 10240 : i32
    %mul3A_32 = arith.muli %arg1, %mul3A_31 : i32
    %convert_element_type3A_33 = arith.sitofp %mul3A_32 : i32 to f32
    %iota3A = tpu.iota {dimensions = array<i32: 1>} : vector<1x10240xi32>
    %convert_element_type3A_34 = arith.sitofp %iota3A : vector<1x10240xi32> to vector<1x10240xf32>
    %add3A_35 = vector.broadcast %convert_element_type3A_33 : f32 to vector<1x10240xf32>
    %add3A_36 = arith.addf %add3A_35, %convert_element_type3A_34 : vector<1x10240xf32>
    %broadcast_in_dim3A = vector.shape_cast %add3A_36 : vector<1x10240xf32> to vector<1x10240xf32>
    %broadcast_in_dim3A_37 = vector.broadcast %broadcast_in_dim3A : vector<1x10240xf32> to vector<200x10240xf32>
    %reduce_min3A = arith.constant dense<0x7F800000> : vector<200xf32>
    %reduce_min3A_38 = vector.multi_reduction <minimumf>, %sqrt3A, %reduce_min3A [1] : vector<200x10240xf32> to vector<200xf32>
    %broadcast_in_dim3A_39 = vector.shape_cast %reduce_min3A_38 : vector<200xf32> to vector<200x1xf32>
    %bitcast_convert_type3A = tpu.bitcast %sqrt3A : vector<200x10240xf32> -> vector<200x10240xi32>
    %bitcast_convert_type3A_40 = tpu.bitcast %broadcast_in_dim3A_39 : vector<200x1xf32> -> vector<200x1xi32>
    %eq3A_41 = vector.broadcast %bitcast_convert_type3A_40 : vector<200x1xi32> to vector<200x10240xi32>
    %eq3A_42 = arith.cmpi eq, %bitcast_convert_type3A, %eq3A_41 : vector<200x10240xi32>
    %jit3A = arith.constant 1.000000e+09 : f32
    %broadcast_in_dim3A_43 = vector.broadcast %jit3A : f32 to vector<200x10240xf32>
    %select_n3A = arith.select %eq3A_42, %broadcast_in_dim3A_37, %broadcast_in_dim3A_43 : vector<200x10240xi1>, vector<200x10240xf32>
    %reduce_min3A_44 = arith.constant dense<0x7F800000> : vector<200xf32>
    %reduce_min3A_45 = vector.multi_reduction <minimumf>, %select_n3A, %reduce_min3A_44 [1] : vector<200x10240xf32> to vector<200xf32>
    %broadcast_in_dim3A_46 = vector.shape_cast %reduce_min3A_45 : vector<200xf32> to vector<200x1xf32>
    %get3A_47 = arith.constant 0 : index
    %get3A_48 = arith.constant 0 : index
    %get3A_49 = arith.constant 0 : index
    %get3A_50 = vector.load %arg4[%get3A_47, %get3A_48, %get3A_49] : memref<1x200x1xf32, #tpu.memory_space<vmem>>, vector<1x200x1xf32>
    %get3A_51 = vector.shape_cast %get3A_50 : vector<1x200x1xf32> to vector<200x1xf32>
    %lt3A = arith.cmpf olt, %broadcast_in_dim3A_39, %get3A_51 : vector<200x1xf32>
    %get3A_52 = arith.constant 0 : index
    %get3A_53 = arith.constant 0 : index
    %get3A_54 = arith.constant 0 : index
    %get3A_55 = vector.load %arg5[%get3A_52, %get3A_53, %get3A_54] : memref<1x200x1xf32, #tpu.memory_space<vmem>>, vector<1x200x1xf32>
    %get3A_56 = vector.shape_cast %get3A_55 : vector<1x200x1xf32> to vector<200x1xf32>
    %select_n3A_57 = arith.select %lt3A, %broadcast_in_dim3A_46, %get3A_56 : vector<200x1xi1>, vector<200x1xf32>
    %swap3A = arith.constant 0 : index
    %swap3A_58 = arith.constant 0 : index
    %swap3A_59 = arith.constant 0 : index
    %swap3A_60 = vector.load %arg5[%swap3A, %swap3A_58, %swap3A_59] : memref<1x200x1xf32, #tpu.memory_space<vmem>>, vector<1x200x1xf32>
    %swap3A_61 = vector.shape_cast %swap3A_60 : vector<1x200x1xf32> to vector<200x1xf32>
    %swap3A_62 = vector.shape_cast %select_n3A_57 : vector<200x1xf32> to vector<1x200x1xf32>
    tpu.vector_store %arg5[%swap3A, %swap3A_58, %swap3A_59], %swap3A_62 {strides = array<i32>} : memref<1x200x1xf32, #tpu.memory_space<vmem>>, vector<1x200x1xf32>,
    %min3A = arith.minimumf %broadcast_in_dim3A_39, %get3A_51 : vector<200x1xf32>
    %swap3A_63 = arith.constant 0 : index
    %swap3A_64 = arith.constant 0 : index
    %swap3A_65 = arith.constant 0 : index
    %swap3A_66 = vector.load %arg4[%swap3A_63, %swap3A_64, %swap3A_65] : memref<1x200x1xf32, #tpu.memory_space<vmem>>, vector<1x200x1xf32>
    %swap3A_67 = vector.shape_cast %swap3A_66 : vector<1x200x1xf32> to vector<200x1xf32>
    %swap3A_68 = vector.shape_cast %min3A : vector<200x1xf32> to vector<1x200x1xf32>
    tpu.vector_store %arg4[%swap3A_63, %swap3A_64, %swap3A_65], %swap3A_68 {strides = array<i32>} : memref<1x200x1xf32, #tpu.memory_space<vmem>>, vector<1x200x1xf32>,
    return
  }
  func.func @transform_0(%arg0: i32, %arg1: i32) -> (i32, i32, i32) {
    %c0_i32 = arith.constant 0 : i32
    %c0_i32_0 = arith.constant 0 : i32
    return %arg0, %c0_i32, %arg1 : i32, i32, i32
  }
  func.func @transform_1(%arg0: i32, %arg1: i32) -> (i32, i32, i32) {
    %c0_i32 = arith.constant 0 : i32
    %c0_i32_0 = arith.constant 0 : i32
    %c0_i32_1 = arith.constant 0 : i32
    return %arg0, %c0_i32, %c0_i32_0 : i32, i32, i32
  }
  func.func @transform_2(%arg0: i32, %arg1: i32) -> (i32, i32, i32) {
    %c0_i32 = arith.constant 0 : i32
    %c0_i32_0 = arith.constant 0 : i32
    %c0_i32_1 = arith.constant 0 : i32
    return %arg0, %c0_i32, %c0_i32_0 : i32, i32, i32
  }
  func.func @transform_3(%arg0: i32, %arg1: i32) -> (i32, i32, i32) {
    %c0_i32 = arith.constant 0 : i32
    %c0_i32_0 = arith.constant 0 : i32
    %c0_i32_1 = arith.constant 0 : i32
    return %arg0, %c0_i32, %c0_i32_0 : i32, i32, i32
  }
}

</mosaic_0001>

<sc_bundles>
// kernel: kernel.4.cloned.1.call-start
scs
__scs_entry_jumppad:
0x0: {  	(pc) =	sbr.rel $0x88, $3  }
0x1: {  	(tag) =	ssettag $0x0;
	lr =	simm.s32 $0x1  }
0x2: {  	[smem:$0x3F9E] =	sst lr;
	_ =	strace $0xD0000000  }
0x3: {  	_ = 	snop  }
0x4: {  	_ = 	snop  }
0x5: {  	_ = 	snop  }
0x6: {  	_ = 	snop  }
0x7: {  	_ = 	snop  }
__scs_overlays_trampoline_lowered:
0x8: {  	[smem:$0x3FAD] =	sst s0  }
0x9: {  	[smem:$0x3FAE] =	sst s1  }
0xa: {  	[smem:$0x3FAF] =	sst s2  }
0xb: {  	[smem:$0x3FB0] =	sst s3  }
0xc: {  	[smem:$0x3FB1] =	sst s4  }
0xd: {  	[smem:$0x3FB2] =	sst s5  }
0xe: {  	[smem:$0x3FB3] =	sst s6  }
0xf: {  	[smem:$0x3FB4] =	sst s7  }
0x10: {  	[smem:$0x3FB5] =	sst s8  }
0x11: {  	[smem:$0x3FB6] =	sst s9;
	s0 =	simm.s32 @!p0 $0x0  }
0x12: {  	s1 =	sld [smem:$0x3F9C];
	s0 =	simm.s32 @p0 $0x1  }
0x13: {  	[smem:$0x3FB7] =	sst s0;
	s0 =	simm.s32 @!p1 $0x0  }
0x14: {  	s2 =	sld [smem:$0x3F9B];
	s0 =	simm.s32 @p1 $0x1  }
0x15: {  	[smem:$0x3FB8] =	sst s0;
	s0 =	simm.s32 @!p2 $0x0  }
0x16: {  	s3 =	sld [smem:$0x3FDB];
	s0 =	simm.s32 @p2 $0x1  }
0x17: {  	s4 =	simm.s32 $0x1BF5;
	[smem:$0x3FBA] =	sst s0  }
0x18: {  	s0 =	sld [smem:$0x3F9D];
	_ =	swait.ge [sflag:s4], $0x0  }
0x19: {  	s7 =	sld [smem:$0x3F9E]  }
0x1a: {  	s8 =	sadd.s32 $0xFFFFE003, lr  }
0x1b: {  	s9 =	sadd.s32 $0xFFFFFEF7, lr;
	s5 =	simm.s32 $0xFFFFFFFF;
	p2 =	slt.u32 s8, $0xFFFFF086  }
0x1c: {  	p1 =	slt.u32 s9, $0xF7A;
	s5 =	simm.s32 @!p2 $0x0  }
0x1d: {  	s5 =	simm.s32 @p1 $0x1;
	p0 =	seq.s32 s7, s2  }
0x1e: {  	s7 =	smul.u32 @!p0 $0xF7A, s2;
	p2 =	seq.s32 @!p0 s5, $0x0  }
0x1f: {  	s9 =	smul.u32 $0xF7A, s1;
	s8 =	simm.s32 @!p0 $0x1BF5;
	p2 =	por !p2, p0  }
0x20: {  	[sflag:s8] =	ssyncset.s32 @!p0 $0xFFFFF086;
	s6 =	sadd.s32 @!p0 s3, s7;
	s7 =	simm.s32 @!p0 $0x108  }
0x21: {  	s3 =	sadd.s32 s3, s9;
	s6 =	sadd.s32 @!p0 $0x88, s6;
	s7 =	simm.s32 @p2 $0x1082  }
0x22: {  	[simem:s7], [sflag:s8] =	dma.local @!p0 [hbm:s6], $0xF7A  }
0x23: {  	s9 =	sor.u32 $0xD0000000, s2;
	s6 =	simm.s32 $0x108;
	_ =	swait.ge @!p0 [sflag:s8], $0x0  }
0x24: {  	s3 =	sadd.s32 $0x88, s3;
	s6 =	simm.s32 @!p1 $0x1082;
	[sflag:s4] =	ssyncset.s32 $0xFFFFF086  }
0x25: {  	[simem:s6], [sflag:s4] =	dma.local [hbm:s3], $0xF7A  }
0x26: {  	[smem:$0x3F9E] =	sst s1;
	(tag) =	ssettag s2;
	_ =	strace s9  }
0x27: {  	s1 =	sld [smem:$0x3FAE]  }
0x28: {  	s2 =	sld [smem:$0x3FAF]  }
0x29: {  	s4 =	sld [smem:$0x3FB1]  }
0x2a: {  	p0 =	seq.s32 s5, $0x0;
	s5 =	sld [smem:$0x3FB2]  }
0x2b: {  	s6 =	sld [smem:$0x3FB3]  }
0x2c: {  	s7 =	sld [smem:$0x3FB4]  }
0x2d: {  	s3 =	simm.s32 $0x108;
	s8 =	sld [smem:$0x3FB5]  }
0x2e: {  	s3 =	simm.s32 @!p0 $0x1082;
	s9 =	sld [smem:$0x3FB6]  }
0x2f: {  	lr =	sadd.s32 s0, s3;
	s0 =	sld [smem:$0x3FAD]  }
0x30: {  	s3 =	sld [smem:$0x3FB0]  }
0x31: {  	[smem:$0x3FB9] =	sst s10  }
0x32: {  	s10 =	sld [smem:$0x3FB7];
	_ =	sdelay $0x3  }
0x33: {  	p0 =	seq.s32 s10, $0x1;
	s10 =	sld [smem:$0x3FB9];
	_ =	sdelay $0x3  }
0x34: {  	[smem:$0x3FB9] =	sst s10  }
0x35: {  	s10 =	sld [smem:$0x3FB8];
	_ =	sdelay $0x3  }
0x36: {  	p1 =	seq.s32 s10, $0x1;
	s10 =	sld [smem:$0x3FB9];
	_ =	sdelay $0x3  }
0x37: {  	[smem:$0x3FB9] =	sst s10  }
0x38: {  	s10 =	sld [smem:$0x3FBA]  }
0x39: {  	_ = 	snop;
	(pc) =	sbr.ind lr, $3  }
0x3a: {  	_ = 	snop  }
0x3b: {  	_ = 	snop  }
0x3c: {  	p2 =	seq.s32 s10, $0x1;
	s10 =	sld [smem:$0x3FB9]  }
0x3d: {  	_ =	shalt  }
0x3e: {  	_ =	shalt  }
0x3f: {  	_ =	shalt  }
0x40: {  	_ =	shalt  }
0x41: {  	_ =	shalt  }
0x42: {  	_ =	shalt  }
0x43: {  	_ =	shalt  }
0x44: {  	_ =	shalt  }
0x45: {  	_ =	shalt  }
0x46: {  	_ =	shalt  }
0x47: {  	_ =	shalt  }
0x48: {  	_ =	shalt  }
0x49: {  	_ =	shalt  }
0x4a: {  	_ =	shalt  }
0x4b: {  	_ =	shalt  }
0x4c: {  	_ =	shalt  }
0x4d: {  	_ =	shalt  }
0x4e: {  	_ =	shalt  }
0x4f: {  	_ =	shalt  }
0x50: {  	_ =	shalt  }
0x51: {  	_ =	shalt  }
0x52: {  	_ =	shalt  }
0x53: {  	_ =	shalt  }
0x54: {  	_ =	shalt  }
0x55: {  	_ =	shalt  }
0x56: {  	_ =	shalt  }
0x57: {  	_ =	shalt  }
0x58: {  	_ =	shalt  }
0x59: {  	_ =	shalt  }
0x5a: {  	_ =	shalt  }
0x5b: {  	_ =	shalt  }
0x5c: {  	_ =	shalt  }
0x5d: {  	_ =	shalt  }
0x5e: {  	_ =	shalt  }
0x5f: {  	_ =	shalt  }
0x60: {  	_ =	shalt  }
0x61: {  	_ =	shalt  }
0x62: {  	_ =	shalt  }
0x63: {  	_ =	shalt  }
0x64: {  	_ =	shalt  }
0x65: {  	_ =	shalt  }
0x66: {  	_ =	shalt  }
0x67: {  	_ =	shalt  }
0x68: {  	_ =	shalt  }
0x69: {  	_ =	shalt  }
0x6a: {  	_ =	shalt  }
0x6b: {  	_ =	shalt  }
0x6c: {  	_ =	shalt  }
0x6d: {  	_ =	shalt  }
0x6e: {  	_ =	shalt  }
0x6f: {  	_ =	shalt  }
0x70: {  	_ =	shalt  }
0x71: {  	_ =	shalt  }
0x72: {  	_ =	shalt  }
0x73: {  	_ =	shalt  }
0x74: {  	_ =	shalt  }
0x75: {  	_ =	shalt  }
0x76: {  	_ =	shalt  }
0x77: {  	_ =	shalt  }
0x78: {  	_ =	shalt  }
0x79: {  	_ =	shalt  }
0x7a: {  	_ =	shalt  }
0x7b: {  	_ =	shalt  }
0x7c: {  	_ =	shalt  }
0x7d: {  	_ =	shalt  }
0x7e: {  	_ =	shalt  }
0x7f: {  	_ =	shalt  }
0x80: {  	_ =	shalt  }
0x81: {  	_ =	shalt  }
0x82: {  	_ =	shalt  }
0x83: {  	_ =	shalt  }
0x84: {  	_ =	shalt  }
0x85: {  	_ =	shalt  }
0x86: {  	_ =	shalt  }
0x87: {  	_ =	shalt  }
.Lfunc_end0:
.L_simem_size_0:
called_computation_lowered:
.L_overlay_start_0:
0x88: {  	s2 =	sld [smem:$0x3FD9]  }
0x89: {  	s3 =	sld [smem:$0x3FFE];
	_ =	sdelay $0x1  }
0x8a: {  	s1 =	srdreg.scid  }
0x8b: {  	s0 =	sand.u32 $0x1, s1  }
0x8c: {  	s14 =	sshll.u32 s0, $0xA;
	s2 =	sadd.s32 s3, s2  }
0x8d: {  	s2 =	sadd.s32 s2, s14  }
0x8e: {  	[smem:$0x3FC5] =	sst s2  }
0x8f: {  	_ = 	snop  }
0x90: {  	s2 =	sld [smem:$0x3FD0];
	_ =	sdelay $0x2  }
0x91: {  	s15 =	simm.s32 $0xA;
	s4 =	simm.s32 $0x10  }
0x92: {  	[smem:s4], [sflag:s15] =	dma.local [hbm:s2], $0x1  }
0x93: {  	_ =	swait.eq [sflag:s15], $0x1  }
0x94: {  	[sflag:s15] =	ssyncset.done $0x0  }
0x95: {  	s16 =	sld [smem:$0x10];
	[sflag:s15] =	ssyncadd.s32 $0xFFFFFFFF  }
0x96: {  	s17 =	sld [smem:$0x11];
	(tm) =	ssettm $0x1  }
0x97: {  	s18 =	sld [smem:$0x3FFB];
	_ =	sdelay $0x3  }
0x98: {  	_ =	strace s18  }
0x99: {  	s4 =	sld [smem:$0x3FFC];
	_ =	sdelay $0x3  }
0x9a: {  	_ =	strace s4  }
0x9b: {  	s4 =	sld [smem:$0x3FFD];
	_ =	sdelay $0x3  }
0x9c: {  	_ =	strace s4  }
0x9d: {  	_ =	strace $0x8FFFFFFF  }
0x9e: {  	s19 =	sld [smem:$0x3FDB];
	_ =	sdelay $0x1  }
0x9f: {  	s5 =	simm.s32 $_scs_section_size  }
0xa0: {  	s6 =	simm.s32 $_size__tile_overlayer_lowered;
	s7 =	simm.s32 $_tile_overlayer_lowered  }
0xa1: {  	s22 =	simm.s32 $0x1BFF;
	s21 =	sshll.u32 s7, $0x1;
	s4 =	sadd.s32 s5, s19  }
0xa2: {  	s8 =	simm.s32 $0x0;
	s20 =	sshll.u32 s6, $0x1;
	s6 =	sadd.s32 s21, s4  }
0xa3: {  	[timem:s8], [sflag:s22] =	dma.local [hbm:s6], s20  }
0xa4: {  	_ =	swait.ge [sflag:s22], s20  }
0xa5: {  	s5 =	ssub.s32 $0x0, s20;
	[sflag:s22] =	ssyncset.done $0x0  }
0xa6: {  	[sflag:s22] =	ssyncadd.s32 s5;
	_ =	sdelay $0x1  }
0xa7: {  	s23 =	simm.s32 $0x1B8B  }
0xa8: {  	_ =	swait.ge [sflag:s23], $0x1  }
0xa9: {  	[sflag:s23] =	ssyncset.done $0x0  }
0xaa: {  	s25 =	simm.s32 $0x1B8E;
	s24 =	sld [smem:$0x3FFE];
	[sflag:s23] =	ssyncadd.s32 $0xFFFFFFFF  }
0xab: {  	s26 =	simm.s32 $execute0_lowered;
	[smem:$0x3FD2] =	sst s25  }
0xac: {  	s6 =	sshll.u32 s26, $0x1;
	_ =	strace $0x80000046;
	[dreg:$0x1] =	wrdreg $0xFFFFFFFF  }
0xad: {  	s28 =	simm.s32 $_size_execute0_lowered;
	s4 =	sadd.s32 s4, s6;
	[dreg:$0x0] =	wrdreg $0x0  }
0xae: {  	s6 =	sshll.u32 s28, $0x1;
	[dreg:$0x2] =	wrdreg s4  }
0xaf: {  	[dreg:$0x3] =	wrdreg s6  }
0xb0: {  	[dreg:$0x4] =	wrdreg $0xC0  }
0xb1: {  	_ =	task [dreg:s8], $0x5FFFF  }
0xb2: {  	[dreg:$0x1] =	wrdreg $0xFFFFFFFF  }
0xb3: {  	[dreg:$0x0] =	wrdreg $0x60  }
0xb4: {  	[dreg:$0x2] =	wrdreg s24  }
0xb5: {  	[dreg:$0x3] =	wrdreg s17  }
0xb6: {  	[dreg:$0x4] =	wrdreg s16  }
0xb7: {  	[dreg:$0x5] =	wrdreg $0x9  }
0xb8: {  	_ =	task.clear_ibuf [dreg:s8], $0x6FFFF;
	_ =	strace $0x90000046  }
0xb9: {  	s29 =	simm.s32 $0x9;
	_ =	strace $0x80000048  }
0xba: {  	_ =	swait.ge [sflag:s29], $0x1  }
0xbb: {  	[sflag:s29] =	ssyncadd.s32 $0xFFFFFFFF  }
0xbc: {  	_ =	strace $0x90000048  }
0xbd: {  	_ =	sfence  }
0xbe: {  	s30 =	sld [smem:$0x0];
	_ =	sdelay $0x2  }
0xbf: {  	s31 =	sshll.u32 s1, $0xD;
	s1 =	sshrl.u32 s1, $0x2  }
0xc0: {  	s3 =	sand.u32 $0x4000, s31;
	s1 =	sadd.s32 s1, s30  }
0xc1: {  	s0 =	sor.u32 s3, s0;
	s1 =	sshll.u32 s1, $0x11  }
0xc2: {  	s0 =	sor.u32 s1, s0  }
0xc3: {  	s0 =	sadd.s32 $0x8F2B, s0  }
0xc4: {  	[sflag:s0] =	ssyncadd.remote.s32 $0x1  }
0xc5: {  	_ =	sfence.sel $0xFFFF  }
0xc6: {  	[dreg:$0x0] =	wrdreg $0xFFFFFFFF;
	(pc) =	sbr.abs _section_cstart, $3  }
0xc7: {  	[dreg:$0x1] =	wrdreg $0xFFFFFFFF  }
0xc8: {  	_ =	task.clear_ibuf [dreg:s8], $0x2FFFF;
	_ =	strace $0x9FFFFFFF  }
0xc9: {  	(tm) =	ssettm $0x7FFFFFFF  }
tec
execute0_lowered:
.L_overlay_start_1:
0x0: {  	(tag) =	ssettag $0x1  }
0x1: {  	s0 =	rddreg [dreg:$0x0]  }
0x2: {  	s1 =	rddreg [dreg:$0x1]  }
0x3: {  	s7 =	rddreg [dreg:$0x2];
	s3 =	srdreg.scid  }
0x4: {  	s9 =	stileid.u32;
	s2 =	simm.s32 $0x0;
	s12 =	simm.s32 $0x2  }
0x5: {  	s14 =	simm.s32 $0x2800;
	s15 =	simm.s32 $0x2900;
	s16 =	simm.s32 $0x80  }
0x6: {  	s18 =	simm.s32 $0x1E00;
	s13 =	simm.s32 $0x1C00;
	s17 =	simm.s32 $0x2600  }
0x7: {  	s19 =	simm.s32 $0x1C80;
	s20 =	simm.s32 $0x2680;
	s21 =	simm.s32 $0x1D00  }
0x8: {  	s22 =	simm.s32 $0x2700;
	s23 =	simm.s32 $0x1D80;
	s24 =	simm.s32 $0x2780  }
0x9: {  	s25 =	simm.s32 $0x1;
	s28 =	simm.s32 $0x3400;
	s29 =	simm.s32 $0x0  }
0xa: {  	s4 =	sand.u32 $0x1, s3;
	s26 =	sshll.u32 s9, $0x1;
	[smem:$0x7FF] =	sst s2  }
0xb: {  	s3 =	sadd.s32 $0x5000, s0;
	s9 =	sshrl.u32 s9, $0x2;
	s8 =	sor.u32 s4, s26  }
0xc: {  	_ =	strace $0x80000047;
	s6 =	ssub.s32 $0x2, s4;
	s30 =	smul.u32 $0x19, s9  }
0xd: {  	s26 =	sshll.u32 s9, $0x12;
	s5 =	smul.u32 $0x140, s8;
	s10 =	sshrl.u32 s6, $0x1  }
0xe: {  	s31 =	sand.u32 $0x7, s8;
	v0 =	vmov s26;
	s26 =	simm.s32 $0x2A00;
	s11 =	ssub.s32 s6, s10  }
0xf: {  	s6 =	sadd.s32 s1, s30;
	s7 =	sadd.s32 s7, s30;
	s4 =	sadd.s32 s0, s5  }
0x10: {  	p0 =	sne.s32 s31, $0x7;
	s11 =	smax.u32 s11, $0x1;
	s5 =	sadd.s32 $0x2800, s4  }
0x11: {  	s8 =	sadd.s32 $0x25000, s4;
	s9 =	sadd.s32 $0x27800, s4;
	s10 =	sadd.s32 $0x2A000, s4  }
.LBB2_1:
0x12: {  	[tilespmem:s2], [sflag:$0x2] =	stream.linear.gather [hbm4b:s5+s2], $0xA00, $0x38;
	[tilespmem:$0x3E00] =	vst v63  }
0x13: {  	_ =	swait.ge [sflag:s12], $0xA00  }
0x14: {  	[sflag:s12] =	ssyncset.done $0x0  }
0x15: {  	s0 =	simm.s32 $0xA00;
	[sflag:s12] =	ssyncadd.s32 $0xFFFFF600  }
0x16: {  	[tilespmem:s0], [sflag:$0x2] =	stream.linear.gather [hbm4b:s4+s2], $0xA00, $0x38;
	[tilespmem:$0x3E00] =	vst v63  }
0x17: {  	_ =	swait.ge [sflag:s12], $0xA00  }
0x18: {  	[sflag:s12] =	ssyncset.done $0x0  }
0x19: {  	[sflag:s12] =	ssyncadd.s32 $0xFFFFF600  }
0x1a: {  	[tilespmem:s14], [sflag:$0x2] =	stream.linear.gather [hbm4b:s6+s2], $0xC8, $0x38;
	[tilespmem:$0x3E00] =	vst v63  }
0x1b: {  	_ =	swait.ge [sflag:s12], $0xC8  }
0x1c: {  	[sflag:s12] =	ssyncset.done $0x0  }
0x1d: {  	[sflag:s12] =	ssyncadd.s32 $0xFFFFFF38  }
0x1e: {  	[tilespmem:s15], [sflag:$0x2] =	stream.linear.gather [hbm4b:s7+s2], $0xC8, $0x38;
	[tilespmem:$0x3E00] =	vst v63  }
0x1f: {  	_ =	swait.ge [sflag:s12], $0xC8  }
0x20: {  	[sflag:s12] =	ssyncset.done $0x0  }
0x21: {  	s31 =	simm.s32 $0x0;
	[sflag:s12] =	ssyncadd.s32 $0xFFFFFF38  }
0x22: {  	v1 =	vld [tilespmem:s31+$0x0]  }
0x23: {  	v2 =	vld [tilespmem:s31+$0xA00];
	_ =	sdelay $0x3  }
0x24: {  	s30 =	simm.s32 $0x10;
	v1 =	vadd.f32 $8.388608000e+06, v1  }
0x25: {  	v3 =	vld [tilespmem:s30+$0x0];
	v2 =	vadd.f32 $8.388608000e+06, v2  }
0x26: {  	v4 =	vld [tilespmem:s30+$0xA00];
	v1 =	vadd.f32 $-8.388608000e+06, v1  }
0x27: {  	v2 =	vadd.f32 $-8.388608000e+06, v2  }
0x28: {  	v1 =	vmax.f32 v1, $0.0e+00  }
0x29: {  	v2 =	vmax.f32 v2, $0.0e+00;
	v1 =	vmin.f32 v1, $5.110000000e+02  }
0x2a: {  	v3 =	vadd.f32 $8.388608000e+06, v3;
	v2 =	vmin.f32 v2, $5.110000000e+02;
	v1 =	vtrunc.f32 v1  }
0x2b: {  	s0 =	simm.s32 $0x20;
	v4 =	vadd.f32 $8.388608000e+06, v4;
	v2 =	vtrunc.f32 v2;
	v1 =	vcvt.f32.s32 v1  }
0x2c: {  	v5 =	vcvt.f32.s32 v2;
	v2 =	vld [tilespmem:s0+$0x0]  }
0x2d: {  	v3 =	vadd.f32 $-8.388608000e+06, v3;
	v6 =	vadd.f32 $-8.388608000e+06, v4;
	v8 =	vadd.s32 v1, v0;
	v1 =	vld [tilespmem:s0+$0xA00]  }
0x2e: {  	v7 =	vshll.u32 v5, $0x9  }
0x2f: {  	s1 =	simm.s32 $0xC0;
	v4 =	vmax.f32 v3, $0.0e+00;
	v5 =	vmax.f32 v6, $0.0e+00;
	v3 =	vadd.s32 v7, v8  }
.LBB2_2:
0x30: {  	[tilespmem:s31+$0x1400] =	vst v3;
	s31 =	smov.u32 s30  }
0x31: {  	v6 =	vadd.f32 $8.388608000e+06, v2;
	v4 =	vmin.f32 v4, $5.110000000e+02;
	v5 =	vmin.f32 v5, $5.110000000e+02;
	s30 =	smov.u32 s0;
	s0 =	sshra.s32 s1, $0x2;
	p1 =	sne.s32 s1, $0x27C0  }
.Ltmp0:
0x32: {  	s1 =	sadd.s32 $0x40, s1;
	v2 =	vld [tilespmem:s0+$0x0];
	v3 =	vadd.f32 $8.388608000e+06, v1;
	v4 =	vtrunc.f32 v4;
	v5 =	vtrunc.f32 v5;
	(pc) =	sbr.rel @p1 .LBB2_2-.Ltmp0, $4  }
0x33: {  	v1 =	vld [tilespmem:s0+$0xA00];
	v4 =	vcvt.f32.s32 v4;
	v5 =	vcvt.f32.s32 v5  }
0x34: {  	v6 =	vadd.f32 $-8.388608000e+06, v6;
	v3 =	vadd.f32 $-8.388608000e+06, v3  }
0x35: {  	v7 =	vshll.u32 v5, $0x9;
	v8 =	vadd.s32 v4, v0  }
0x36: {  	v4 =	vmax.f32 v6, $0.0e+00;
	v5 =	vmax.f32 v3, $0.0e+00;
	v3 =	vadd.s32 v7, v8  }
0x37: {  	_ = 	snop  }
0x38: {  	v2 =	vadd.f32 $8.388608000e+06, v2;
	v1 =	vadd.f32 $8.388608000e+06, v1  }
0x39: {  	v4 =	vmin.f32 v4, $5.110000000e+02  }
0x3a: {  	v5 =	vmin.f32 v5, $5.110000000e+02;
	v2 =	vadd.f32 $-8.388608000e+06, v2;
	v1 =	vadd.f32 $-8.388608000e+06, v1  }
0x3b: {  	v4 =	vtrunc.f32 v4;
	v5 =	vtrunc.f32 v5  }
0x3c: {  	v4 =	vcvt.f32.s32 v4;
	v2 =	vmax.f32 v2, $0.0e+00;
	v1 =	vmax.f32 v1, $0.0e+00  }
0x3d: {  	v5 =	vcvt.f32.s32 v5;
	v2 =	vmin.f32 v2, $5.110000000e+02;
	v1 =	vmin.f32 v1, $5.110000000e+02  }
0x3e: {  	v2 =	vtrunc.f32 v2;
	v1 =	vtrunc.f32 v1  }
0x3f: {  	v2 =	vcvt.f32.s32 v2;
	v1 =	vcvt.f32.s32 v1  }
0x40: {  	v5 =	vshll.u32 v5, $0x9;
	v4 =	vadd.s32 v4, v0  }
0x41: {  	[tilespmem:s31+$0x1400] =	vst v3;
	v3 =	vadd.s32 v5, v4;
	v2 =	vadd.s32 v2, v0;
	v1 =	vshll.u32 v1, $0x9  }
0x42: {  	[tilespmem:s30+$0x1400] =	vst v3;
	v1 =	vadd.s32 v1, v2  }
0x43: {  	s1 =	simm.s32 $0x1400;
	[tilespmem:s0+$0x1400] =	vst v1  }
0x44: {  	[tilespmem:s18], [sflag:$0x1] =	stream.indirect.gather [hbm4b:s3+s16], $0x1, s1, s16, $0xb8;
	[tilespmem:$0x3E00] =	vst v63  }
0x45: {  	s31 =	simm.s32 $0x1480;
	s1 =	simm.s32 $0x1E80  }
0x46: {  	[tilespmem:s1], [sflag:$0x1] =	stream.indirect.gather [hbm4b:s3+s16], $0x1, s31, s16, $0xb8;
	[tilespmem:$0x3E00] =	vst v63  }
0x47: {  	s1 =	simm.s32 $0x1500;
	s31 =	simm.s32 $0x1F00  }
0x48: {  	[tilespmem:s31], [sflag:$0x1] =	stream.indirect.gather [hbm4b:s3+s16], $0x1, s1, s16, $0xb8;
	[tilespmem:$0x3E00] =	vst v63  }
0x49: {  	s1 =	simm.s32 $0x1580;
	s31 =	simm.s32 $0x1F80  }
0x4a: {  	[tilespmem:s31], [sflag:$0x1] =	stream.indirect.gather [hbm4b:s3+s16], $0x1, s1, s16, $0xb8;
	[tilespmem:$0x3E00] =	vst v63  }
0x4b: {  	s1 =	simm.s32 $0x1600;
	s31 =	simm.s32 $0x2000  }
0x4c: {  	[tilespmem:s31], [sflag:$0x1] =	stream.indirect.gather [hbm4b:s3+s16], $0x1, s1, s16, $0xb8;
	[tilespmem:$0x3E00] =	vst v63  }
0x4d: {  	s1 =	simm.s32 $0x1680;
	s31 =	simm.s32 $0x2080  }
0x4e: {  	[tilespmem:s31], [sflag:$0x1] =	stream.indirect.gather [hbm4b:s3+s16], $0x1, s1, s16, $0xb8;
	[tilespmem:$0x3E00] =	vst v63  }
0x4f: {  	s1 =	simm.s32 $0x1700;
	s31 =	simm.s32 $0x2100  }
0x50: {  	[tilespmem:s31], [sflag:$0x1] =	stream.indirect.gather [hbm4b:s3+s16], $0x1, s1, s16, $0xb8;
	[tilespmem:$0x3E00] =	vst v63  }
0x51: {  	s1 =	simm.s32 $0x1780;
	s31 =	simm.s32 $0x2180  }
0x52: {  	[tilespmem:s31], [sflag:$0x1] =	stream.indirect.gather [hbm4b:s3+s16], $0x1, s1, s16, $0xb8;
	[tilespmem:$0x3E00] =	vst v63  }
0x53: {  	s1 =	simm.s32 $0x1800;
	s31 =	simm.s32 $0x2200  }
0x54: {  	[tilespmem:s31], [sflag:$0x1] =	stream.indirect.gather [hbm4b:s3+s16], $0x1, s1, s16, $0xb8;
	[tilespmem:$0x3E00] =	vst v63  }
0x55: {  	s1 =	simm.s32 $0x1880;
	s31 =	simm.s32 $0x2280  }
0x56: {  	[tilespmem:s31], [sflag:$0x1] =	stream.indirect.gather [hbm4b:s3+s16], $0x1, s1, s16, $0xb8;
	[tilespmem:$0x3E00] =	vst v63  }
0x57: {  	s1 =	simm.s32 $0x1900;
	s31 =	simm.s32 $0x2300  }
0x58: {  	[tilespmem:s31], [sflag:$0x1] =	stream.indirect.gather [hbm4b:s3+s16], $0x1, s1, s16, $0xb8;
	[tilespmem:$0x3E00] =	vst v63  }
0x59: {  	s1 =	simm.s32 $0x1980;
	s31 =	simm.s32 $0x2380  }
0x5a: {  	[tilespmem:s31], [sflag:$0x1] =	stream.indirect.gather [hbm4b:s3+s16], $0x1, s1, s16, $0xb8;
	[tilespmem:$0x3E00] =	vst v63  }
0x5b: {  	s1 =	simm.s32 $0x1A00;
	s31 =	simm.s32 $0x2400  }
0x5c: {  	[tilespmem:s31], [sflag:$0x1] =	stream.indirect.gather [hbm4b:s3+s16], $0x1, s1, s16, $0xb8;
	[tilespmem:$0x3E00] =	vst v63  }
0x5d: {  	s1 =	simm.s32 $0x1A80;
	s31 =	simm.s32 $0x2480  }
0x5e: {  	[tilespmem:s31], [sflag:$0x1] =	stream.indirect.gather [hbm4b:s3+s16], $0x1, s1, s16, $0xb8;
	[tilespmem:$0x3E00] =	vst v63  }
0x5f: {  	s1 =	simm.s32 $0x1B00;
	s31 =	simm.s32 $0x2500  }
0x60: {  	[tilespmem:s31], [sflag:$0x1] =	stream.indirect.gather [hbm4b:s3+s16], $0x1, s1, s16, $0xb8;
	[tilespmem:$0x3E00] =	vst v63  }
0x61: {  	s1 =	simm.s32 $0x1B80;
	s31 =	simm.s32 $0x2580  }
0x62: {  	[tilespmem:s31], [sflag:$0x1] =	stream.indirect.gather [hbm4b:s3+s16], $0x1, s1, s16, $0xb8;
	[tilespmem:$0x3E00] =	vst v63  }
0x63: {  	_ = 	snop  }
0x64: {  	[tilespmem:s17], [sflag:$0x1] =	stream.indirect.gather [hbm4b:s3+s16], $0x1, s13, s16, $0xb8;
	[tilespmem:$0x3E00] =	vst v63  }
0x65: {  	_ = 	snop  }
0x66: {  	[tilespmem:s20], [sflag:$0x1] =	stream.indirect.gather [hbm4b:s3+s16], $0x1, s19, s16, $0xb8;
	[tilespmem:$0x3E00] =	vst v63  }
0x67: {  	_ = 	snop  }
0x68: {  	[tilespmem:s22], [sflag:$0x1] =	stream.indirect.gather [hbm4b:s3+s16], $0x1, s21, s16, $0xb8;
	[tilespmem:$0x3E00] =	vst v63  }
0x69: {  	_ = 	snop  }
0x6a: {  	[tilespmem:s24], [sflag:$0x1] =	stream.indirect.gather [hbm4b:s3+s16], $0x1, s23, s16, $0xb8;
	[tilespmem:$0x3E00] =	vst v63  }
0x6b: {  	_ =	swait.ge [sflag:s25], $0x80  }
0x6c: {  	[sflag:s25] =	ssyncset.done $0x0  }
0x6d: {  	[sflag:s25] =	ssyncadd.s32 $0xFFFFFF80  }
0x6e: {  	_ =	swait.ge [sflag:s25], $0x80  }
0x6f: {  	[sflag:s25] =	ssyncset.done $0x0  }
0x70: {  	[sflag:s25] =	ssyncadd.s32 $0xFFFFFF80  }
0x71: {  	_ =	swait.ge [sflag:s25], $0x80  }
0x72: {  	[sflag:s25] =	ssyncset.done $0x0  }
0x73: {  	[sflag:s25] =	ssyncadd.s32 $0xFFFFFF80  }
0x74: {  	_ =	swait.ge [sflag:s25], $0x80  }
0x75: {  	[sflag:s25] =	ssyncset.done $0x0  }
0x76: {  	[sflag:s25] =	ssyncadd.s32 $0xFFFFFF80  }
0x77: {  	_ =	swait.ge [sflag:s25], $0x80  }
0x78: {  	[sflag:s25] =	ssyncset.done $0x0  }
0x79: {  	[sflag:s25] =	ssyncadd.s32 $0xFFFFFF80  }
0x7a: {  	_ =	swait.ge [sflag:s25], $0x80  }
0x7b: {  	[sflag:s25] =	ssyncset.done $0x0  }
0x7c: {  	[sflag:s25] =	ssyncadd.s32 $0xFFFFFF80  }
0x7d: {  	_ =	swait.ge [sflag:s25], $0x80  }
0x7e: {  	[sflag:s25] =	ssyncset.done $0x0  }
0x7f: {  	[sflag:s25] =	ssyncadd.s32 $0xFFFFFF80  }
0x80: {  	_ =	swait.ge [sflag:s25], $0x80  }
0x81: {  	[sflag:s25] =	ssyncset.done $0x0  }
0x82: {  	[sflag:s25] =	ssyncadd.s32 $0xFFFFFF80  }
0x83: {  	_ =	swait.ge [sflag:s25], $0x80  }
0x84: {  	[sflag:s25] =	ssyncset.done $0x0  }
0x85: {  	[sflag:s25] =	ssyncadd.s32 $0xFFFFFF80  }
0x86: {  	_ =	swait.ge [sflag:s25], $0x80  }
0x87: {  	[sflag:s25] =	ssyncset.done $0x0  }
0x88: {  	[sflag:s25] =	ssyncadd.s32 $0xFFFFFF80  }
0x89: {  	_ =	swait.ge [sflag:s25], $0x80  }
0x8a: {  	[sflag:s25] =	ssyncset.done $0x0  }
0x8b: {  	[sflag:s25] =	ssyncadd.s32 $0xFFFFFF80  }
0x8c: {  	_ =	swait.ge [sflag:s25], $0x80  }
0x8d: {  	[sflag:s25] =	ssyncset.done $0x0  }
0x8e: {  	[sflag:s25] =	ssyncadd.s32 $0xFFFFFF80  }
0x8f: {  	_ =	swait.ge [sflag:s25], $0x80  }
0x90: {  	[sflag:s25] =	ssyncset.done $0x0  }
0x91: {  	[sflag:s25] =	ssyncadd.s32 $0xFFFFFF80  }
0x92: {  	_ =	swait.ge [sflag:s25], $0x80  }
0x93: {  	[sflag:s25] =	ssyncset.done $0x0  }
0x94: {  	[sflag:s25] =	ssyncadd.s32 $0xFFFFFF80  }
0x95: {  	_ =	swait.ge [sflag:s25], $0x80  }
0x96: {  	[sflag:s25] =	ssyncset.done $0x0  }
0x97: {  	[sflag:s25] =	ssyncadd.s32 $0xFFFFFF80  }
0x98: {  	_ =	swait.ge [sflag:s25], $0x80  }
0x99: {  	[sflag:s25] =	ssyncset.done $0x0  }
0x9a: {  	[sflag:s25] =	ssyncadd.s32 $0xFFFFFF80  }
0x9b: {  	_ =	swait.ge [sflag:s25], $0x80  }
0x9c: {  	[sflag:s25] =	ssyncset.done $0x0  }
0x9d: {  	[sflag:s25] =	ssyncadd.s32 $0xFFFFFF80  }
0x9e: {  	_ =	swait.ge [sflag:s25], $0x80  }
0x9f: {  	[sflag:s25] =	ssyncset.done $0x0  }
0xa0: {  	[sflag:s25] =	ssyncadd.s32 $0xFFFFFF80  }
0xa1: {  	_ =	swait.ge [sflag:s25], $0x80  }
0xa2: {  	[sflag:s25] =	ssyncset.done $0x0  }
0xa3: {  	[sflag:s25] =	ssyncadd.s32 $0xFFFFFF80  }
0xa4: {  	_ =	swait.ge [sflag:s25], $0x80  }
0xa5: {  	[sflag:s25] =	ssyncset.done $0x0  }
0xa6: {  	v1 =	vimm.s32 @!p0 $0x0;
	[sflag:s25] =	ssyncadd.s32 $0xFFFFFF80  }
0xa7: {  	[tilespmem:$0x2620] =	vst @!p0 v1  }
0xa8: {  	[tilespmem:$0x2630] =	vst @!p0 v1  }
0xa9: {  	[tilespmem:$0x2640] =	vst @!p0 v1  }
0xaa: {  	[tilespmem:$0x2650] =	vst @!p0 v1  }
0xab: {  	[tilespmem:$0x2660] =	vst @!p0 v1  }
0xac: {  	[tilespmem:$0x2670] =	vst @!p0 v1  }
0xad: {  	[tilespmem:$0x2680] =	vst @!p0 v1  }
0xae: {  	[tilespmem:$0x2690] =	vst @!p0 v1  }
0xaf: {  	[tilespmem:$0x26A0] =	vst @!p0 v1  }
0xb0: {  	[tilespmem:$0x26B0] =	vst @!p0 v1  }
0xb1: {  	[tilespmem:$0x26C0] =	vst @!p0 v1  }
0xb2: {  	[tilespmem:$0x26D0] =	vst @!p0 v1  }
0xb3: {  	[tilespmem:$0x26E0] =	vst @!p0 v1  }
0xb4: {  	[tilespmem:$0x26F0] =	vst @!p0 v1  }
0xb5: {  	[tilespmem:$0x2700] =	vst @!p0 v1  }
0xb6: {  	[tilespmem:$0x2710] =	vst @!p0 v1  }
0xb7: {  	[tilespmem:$0x2720] =	vst @!p0 v1  }
0xb8: {  	[tilespmem:$0x2730] =	vst @!p0 v1  }
0xb9: {  	[tilespmem:$0x2740] =	vst @!p0 v1  }
0xba: {  	[tilespmem:$0x2750] =	vst @!p0 v1  }
0xbb: {  	[tilespmem:$0x2760] =	vst @!p0 v1  }
0xbc: {  	[tilespmem:$0x2770] =	vst @!p0 v1  }
0xbd: {  	[tilespmem:$0x2780] =	vst @!p0 v1  }
0xbe: {  	[tilespmem:$0x2790] =	vst @!p0 v1  }
0xbf: {  	[tilespmem:$0x27A0] =	vst @!p0 v1  }
0xc0: {  	[tilespmem:$0x27B0] =	vst @!p0 v1  }
0xc1: {  	[tilespmem:$0x27C0] =	vst @!p0 v1  }
0xc2: {  	[tilespmem:$0x27D0] =	vst @!p0 v1  }
0xc3: {  	[tilespmem:$0x27E0] =	vst @!p0 v1  }
0xc4: {  	s0 =	simm.s32 $0x0;
	[tilespmem:$0x27F0] =	vst @!p0 v1  }
0xc5: {  	v1 =	vld [tilespmem:s0+$0x1E00];
	_ =	sdelay $0x4  }
0xc6: {  	v1 =	vadd.s32 $0xFFFFFFFF, v1  }
0xc7: {  	vm0 =	vgt.s32 v1, $0x0  }
0xc8: {  	v1 =	vnsel vm0, $0x0, v1;
	_ =	sdelay $0x4  }
0xc9: {  	s30 =	simm.s32 $0x10;
	s1 =	simm.s32 $0x80;
	v2 =	vld.idx.msk [tilespmem:v1+s14+$0x0], $0xffff  }
.LBB2_4:
0xca: {  	p1 =	sne.s32 s1, $0x27C0;
	v3 =	vld [tilespmem:s30+$0x1E00];
	_ =	sdelay $0x3  }
0xcb: {  	[tilespmem:s0+$0x2A00] =	vst v2  }
0xcc: {  	v2 =	vadd.s32 $0xFFFFFFFF, v3;
	v3 =	vld.idx.msk [tilespmem:v1+s15+$0x0], $0xffff  }
0xcd: {  	vm0 =	vgt.s32 v2, $0x0  }
0xce: {  	v1 =	vnsel vm0, $0x0, v2;
	_ =	sdelay $0x1  }
.Ltmp1:
0xcf: {  	(pc) =	sbr.rel @p1 .LBB2_4-.Ltmp1, $4  }
0xd0: {  	_ = 	snop  }
0xd1: {  	[tilespmem:s0+$0x3400] =	vst v3;
	s0 =	smov.u32 s30  }
0xd2: {  	v2 =	vld.idx.msk [tilespmem:v1+s14+$0x0], $0xffff  }
0xd3: {  	s30 =	sshra.s32 s1, $0x2;
	s1 =	sadd.s32 $0x40, s1  }
0xd4: {  	v3 =	vld [tilespmem:s30+$0x1E00];
	_ =	sdelay $0x4  }
0xd5: {  	[tilespmem:s0+$0x2A00] =	vst v2;
	v2 =	vadd.s32 $0xFFFFFFFF, v3  }
0xd6: {  	v1 =	vld.idx.msk [tilespmem:v1+s15+$0x0], $0xffff;
	vm0 =	vgt.s32 v2, $0x0  }
0xd7: {  	v2 =	vnsel vm0, $0x0, v2;
	_ =	sdelay $0x3  }
0xd8: {  	[tilespmem:s0+$0x3400] =	vst v1  }
0xd9: {  	v1 =	vld.idx.msk [tilespmem:v2+s14+$0x0], $0xffff;
	_ =	sdelay $0x4  }
0xda: {  	[tilespmem:s30+$0x2A00] =	vst v1  }
0xdb: {  	v1 =	vld.idx.msk [tilespmem:v2+s15+$0x0], $0xffff;
	_ =	sdelay $0x4  }
0xdc: {  	[tilespmem:s30+$0x3400] =	vst v1  }
0xdd: {  	[hbm4b:s8+s2] =	stream.linear.scatter [tilespmem:s18], [sflag:$0x2], $0xA00, $0x38;
	[tilespmem:$0x3E00] =	vst v63  }
0xde: {  	_ =	swait.ge [sflag:s12], $0xA00  }
0xdf: {  	[sflag:s12] =	ssyncset.done $0x0  }
0xe0: {  	[sflag:s12] =	ssyncadd.s32 $0xFFFFF600  }
0xe1: {  	[hbm4b:s9+s2] =	stream.linear.scatter [tilespmem:s26], [sflag:$0x2], $0xA00, $0x38;
	[tilespmem:$0x3E00] =	vst v63  }
0xe2: {  	s29 =	sadd.s32 $0x1, s29;
	_ =	swait.ge [sflag:s12], $0xA00  }
0xe3: {  	p1 =	sne.s32 s29, s11;
	[sflag:s12] =	ssyncset.done $0x0  }
.Ltmp2:
0xe4: {  	[sflag:s12] =	ssyncadd.s32 $0xFFFFF600;
	(pc) =	sbr.rel @p1 .LBB2_1-.Ltmp2, $4  }
0xe5: {  	[hbm4b:s10+s2] =	stream.linear.scatter [tilespmem:s28], [sflag:$0x2], $0xA00, $0x38;
	[tilespmem:$0x3E00] =	vst v63  }
0xe6: {  	_ =	swait.ge [sflag:s12], $0xA00  }
0xe7: {  	[sflag:s12] =	ssyncset.done $0x0  }
0xe8: {  	[sflag:s12] =	ssyncadd.s32 $0xFFFFF600  }
0xe9: {  	_ =	sfence.sel $0x180000  }
0xea: {  	[bflag:$0x0] =	sbarrier.arrive $0xFFFF  }
0xeb: {  	_ =	strace $0x90000047  }
0xec: {  	s0 =	stileid.u32;
	[bflag:$0x2] =	sbarrier.arrive $0xFFFF  }
0xed: {  	p0 =	sne.s32 s0, $0x0;
	s0 =	rddreg [dreg:$0x3]  }
0xee: {  	s0 =	sadd.s32 @!p0 $0x100000, s0  }
0xef: {  	[sflag:s0] =	ssyncadd.tile.s32 @!p0 $0x1;
	_ =	shalt  }
.Lfunc_end2:
_tile_overlayer_lowered:
.L_overlay_start_2:
0xf0: {  	(tag) =	ssettag $0x2  }
0xf1: {  	s0 =	rddreg [dreg:$0x0];
	s2 =	stileid.u32  }
0xf2: {  	s1 =	rddreg [dreg:$0x1];
	p0 =	sne.s32 s2, $0x0  }
0xf3: {  	s3 =	rddreg [dreg:$0x2];
	[bflag:$0x3] =	sbarrier.arrive $0xFFFF;
	s2 =	simm.s32 @!p0 $0x1C02  }
0xf4: {  	[timem:s3], [sflag:s2] =	dma.local @!p0 [hbm:s0], s1  }
0xf5: {  	s0 =	simm.s32 @!p0 $0x2  }
0xf6: {  	_ =	swait.ge @!p0 [sflag:s0], s1  }
0xf7: {  	s1 =	ssub.s32 @!p0 $0x0, s1;
	[sflag:s0] =	ssyncset.done @!p0 $0x0  }
0xf8: {  	[sflag:s0] =	ssyncadd.s32 @!p0 s1  }
0xf9: {  	[bflag:$0x3] =	sbarrier.arrive $0xFFFF  }
0xfa: {  	_ =	shalt  }

</sc_bundles>
